<compile_context>
chip_gen: v7x
topology: tpu7x:2x2x1
jax: 0.10.2.dev20260603
libtpu: 0.0.44.dev20260713+nightly
codegen_flags: <defaults>
</compile_context>

<pallas_src>
import functools

import jax
import jax.numpy as jnp
from jax import lax
from jax.experimental import pallas as pl
from jax.experimental.pallas import tpu as pltpu
from jax.experimental.pallas import tpu_sc as plsc

_VOCAB = 50257
_ADDED_OFF = 50257
_VQ_START = 50769
_EMBED = 1024
_VQ_DIM = 256
_VQ_VOCAB = 8192
_N_ADDED = 512
_EXT_ROWS = _N_ADDED + _VQ_VOCAB

_NC, _NS, _LANES = 2, 16, 16
_NW = _NC * _NS
_TOKENS = 4 * 8192
_S_SC = 6144
_PER_W = _S_SC // _NW
_C = _LANES
_NCH = _PER_W // _C
_DUMMY = _S_SC
_SC_OUT_ROWS = _S_SC + 8
_B = 256
_SC_BLKS = _S_SC // _B


def _build_ext(W_add, W_cb, W_proj):

    def body(wadd_ref, wcb_ref, wproj_ref, out_ref):
        i = pl.program_id(0)

        @pl.when(i == 0)
        def _():
            out_ref[...] = wadd_ref[...]

        @pl.when(i > 0)
        def _():
            out_ref[...] = lax.dot_general(
                wcb_ref[...],
                wproj_ref[...],
                (((1,), (1,)), ((), ())),
                preferred_element_type=jnp.float32,
            )

    return pl.pallas_call(
        body,
        grid=(_EXT_ROWS // _N_ADDED,),
        in_specs=[
            pl.BlockSpec((_N_ADDED, _EMBED), lambda i: (0, 0)),
            pl.BlockSpec((_N_ADDED, _VQ_DIM), lambda i: (jnp.maximum(i - 1, 0), 0)),
            pl.BlockSpec((_EMBED, _VQ_DIM), lambda i: (0, 0)),
        ],
        out_specs=pl.BlockSpec((_N_ADDED, _EMBED), lambda i: (i, 0)),
        out_shape=jax.ShapeDtypeStruct((_EXT_ROWS, _EMBED), jnp.float32),
    )(W_add, W_cb, W_proj)


def _sc_lookup(x_sc, W_tok, W_ext):
    mesh = plsc.VectorSubcoreMesh(core_axis_name="c", subcore_axis_name="s")

    @functools.partial(
        pl.kernel,
        mesh=mesh,
        out_type=jax.ShapeDtypeStruct((_SC_OUT_ROWS, _EMBED), jnp.float32),
        scratch_types=[
            pltpu.VMEM((_PER_W,), jnp.int32),
            pltpu.VMEM((_C, _EMBED), jnp.float32),
            pltpu.VMEM((_C, _EMBED), jnp.float32),
            pltpu.VMEM((_C, _EMBED), jnp.float32),
            pltpu.VMEM((_C, _EMBED), jnp.float32),
            pltpu.SemaphoreType.DMA,
            pltpu.SemaphoreType.DMA,
            pltpu.SemaphoreType.DMA,
            pltpu.SemaphoreType.DMA,
            pltpu.SemaphoreType.DMA,
            pltpu.SemaphoreType.DMA,
            pltpu.SemaphoreType.DMA,
            pltpu.SemaphoreType.DMA,
        ],
    )
    def k(x_hbm, tok_hbm, ext_hbm, out_hbm, xv,
          ta0, ta1, eb0, eb1, gsa0, gsa1, wsa0, wsa1, gsb0, gsb1, wsb0, wsb1):
        wid = lax.axis_index("s") * _NC + lax.axis_index("c")
        base = pl.multiple_of(wid * _PER_W, _C)
        pltpu.sync_copy(x_hbm.at[pl.ds(base, _PER_W)], xv)

        lane = lax.iota(jnp.int32, _LANES)
        tbuf = (ta0, ta1)
        ebuf = (eb0, eb1)
        gsa = (gsa0, gsa1)
        wsa = (wsa0, wsa1)
        gsb = (gsb0, gsb1)
        wsb = (wsb0, wsb1)

        def chunk_idx(i):
            off = pl.multiple_of(i * _C, _C)
            v = xv[pl.ds(off, _C)]
            is_text = v < _ADDED_OFF
            pos = base + off + lane
            tok_i = jnp.where(is_text, v, 0)
            ext_i = jnp.where(is_text, 0, v - _ADDED_OFF)
            dst_t = jnp.where(is_text, pos, _DUMMY)
            dst_e = jnp.where(is_text, _DUMMY, pos)
            return tok_i, ext_i, dst_t, dst_e

        def start_gathers(i, s):
            tok_i, ext_i, _, _ = chunk_idx(i)
            pltpu.make_async_copy(tok_hbm.at[tok_i], tbuf[s], gsa[s]).start()
            pltpu.make_async_copy(ext_hbm.at[ext_i], ebuf[s], gsb[s]).start()

        def finish_chunk(i, s):
            _, _, dst_t, dst_e = chunk_idx(i)
            pltpu.make_async_copy(tok_hbm.at[lane], tbuf[s], gsa[s]).wait()
            pltpu.make_async_copy(tbuf[s], out_hbm.at[dst_t], wsa[s]).start()
            pltpu.make_async_copy(ext_hbm.at[lane], ebuf[s], gsb[s]).wait()
            pltpu.make_async_copy(ebuf[s], out_hbm.at[dst_e], wsb[s]).start()

        def drain_writes(i, s):
            _, _, dst_t, dst_e = chunk_idx(i)
            pltpu.make_async_copy(tbuf[s], out_hbm.at[dst_t], wsa[s]).wait()
            pltpu.make_async_copy(ebuf[s], out_hbm.at[dst_e], wsb[s]).wait()

        start_gathers(0, 0)

        def dma_body(g, carry):
            for b in range(2):
                i = 2 * g + b
                nxt = (b + 1) % 2

                @pl.when(i + 1 < _NCH)
                def _():
                    @pl.when(i >= 1)
                    def _():
                        drain_writes(i - 1, nxt)

                    start_gathers(i + 1, nxt)

                finish_chunk(i, b)
            return carry

        lax.fori_loop(0, _NCH // 2, dma_body, 0)
        drain_writes(_NCH - 2, 0)
        drain_writes(_NCH - 1, 1)

    return k(x_sc, W_tok, W_ext)


def _tc_gather(x_tc, W_tok, W_ext):
    n = x_tc.shape[0]
    tok3 = W_tok.reshape(_VOCAB, 8, 128)
    ext3 = W_ext.reshape(_EXT_ROWS, 8, 128)

    def body(ids_ref, tok_hbm, ext_hbm, out_ref, sem):
        def row(jj, carry):
            for u in range(4):
                j = jj * 4 + u
                v = ids_ref[j]

                @pl.when(v < _ADDED_OFF)
                def _():
                    pltpu.make_async_copy(
                        tok_hbm.at[pl.ds(v, 1)], out_ref.at[pl.ds(j, 1)], sem
                    ).start()

                @pl.when(v >= _ADDED_OFF)
                def _():
                    pltpu.make_async_copy(
                        ext_hbm.at[pl.ds(v - _ADDED_OFF, 1)],
                        out_ref.at[pl.ds(j, 1)],
                        sem,
                    ).start()

            return carry

        lax.fori_loop(0, _B // 4, row, 0)
        pltpu.make_async_copy(tok_hbm.at[pl.ds(0, _B)], out_ref, sem).wait()

    return pl.pallas_call(
        body,
        grid=(n // _B,),
        in_specs=[
            pl.BlockSpec((_B,), lambda i: (i,),
                         memory_space=pltpu.MemorySpace.SMEM),
            pl.BlockSpec(memory_space=pltpu.MemorySpace.HBM),
            pl.BlockSpec(memory_space=pltpu.MemorySpace.HBM),
        ],
        out_specs=pl.BlockSpec((_B, 8, 128), lambda i: (i + _SC_BLKS, 0, 0)),
        out_shape=jax.ShapeDtypeStruct((_TOKENS, 8, 128), jnp.float32),
        scratch_shapes=[pltpu.SemaphoreType.DMA],
    )(x_tc, tok3, ext3)


def _combine(sc_out, tc_full):
    sc3 = sc_out.reshape(_SC_OUT_ROWS, 8, 128)

    def body(sc_ref, full_hbm, out_ref):
        out_ref[...] = sc_ref[...]

    return pl.pallas_call(
        body,
        grid=(_SC_BLKS,),
        in_specs=[
            pl.BlockSpec((_B, 8, 128), lambda i: (i, 0, 0)),
            pl.BlockSpec(memory_space=pltpu.MemorySpace.HBM),
        ],
        out_specs=pl.BlockSpec((_B, 8, 128), lambda i: (i, 0, 0)),
        out_shape=jax.ShapeDtypeStruct((_TOKENS, 8, 128), jnp.float32),
        input_output_aliases={1: 0},
    )(sc3, tc_full)


def kernel(x, W_tok, W_add, W_cb, W_proj):
    W_ext = _build_ext(W_add, W_cb, W_proj)
    x_flat = x.reshape(-1)
    sc_out = _sc_lookup(x_flat[:_S_SC], W_tok, W_ext)
    tc_full = _tc_gather(x_flat[_S_SC:], W_tok, W_ext)
    out = _combine(sc_out, tc_full)
    return out.reshape(x.shape + (_EMBED,))

# --- scband reference (transcript-rebuilt; emitter-appended) ---
"""Pipeline reference for scband-clevrthree-dembedding-90452011253995 (READ-ONLY COPY).

The authoritative reference and input builder live on the scoring server;
editing this copy changes nothing except your own understanding.
"""

import jax, jax.numpy as jnp
import numpy as np

VOCAB = 50257
EMBED = 1024
ADDED_OFF = 50257
VQ_START = 50769
VQ_END = 58961
VQ_VOCAB = 8192
VQ_DIM = 256
IMG_OFF = 50769
N_ADDED = VQ_START - ADDED_OFF  # 512


def setup_inputs(seed: int = 0) -> dict:
    key = jax.random.key(seed)
    k1, k2, k3, k4, k5 = jax.random.split(key, 5)
    x = jax.random.randint(k1, (4, 8192), 0, VQ_END, dtype=jnp.int32)
    W_tok = jax.random.normal(k2, (VOCAB, EMBED), dtype=jnp.float32) * 0.02
    W_add = jax.random.normal(k3, (N_ADDED, EMBED), dtype=jnp.float32) * 0.02
    W_cb = jax.random.normal(k4, (VQ_VOCAB, VQ_DIM), dtype=jnp.float32) * 0.02
    W_proj = jax.random.normal(k5, (EMBED, VQ_DIM), dtype=jnp.float32) * 0.02  # Linear(vq_dim -> embed), weight [out, in]
    return {"x": x, "W_tok": W_tok, "W_add": W_add, "W_cb": W_cb, "W_proj": W_proj}


def reference(x, W_tok, W_add, W_cb, W_proj):
    text_mask = (x >= 0) & (x < ADDED_OFF)
    three_d_mask = (x >= ADDED_OFF) & (x < VQ_START)
    image_mask = (x >= VQ_START) & (x < VQ_END)

    text_tokens = jnp.where(text_mask, x, 0)
    three_d_tokens = jnp.where(three_d_mask, x, 0) - ADDED_OFF
    three_d_tokens = jnp.maximum(three_d_tokens, 0)
    image_tokens = jnp.where(image_mask, x, 0) - IMG_OFF
    image_tokens = jnp.maximum(image_tokens, 0)

    text_embeddings = jnp.take(W_tok, text_tokens, axis=0)
    image_codes = jnp.take(W_cb, image_tokens, axis=0)
    image_embeddings = image_codes @ W_proj.T
    three_d_embeddings = jnp.take(W_add, three_d_tokens, axis=0)

    embeddings = jnp.zeros(x.shape + (EMBED,), dtype=W_tok.dtype)
    embeddings = jnp.where(text_mask[..., None], text_embeddings, embeddings)
    embeddings = jnp.where(image_mask[..., None], image_embeddings, embeddings)
    embeddings = jnp.where(three_d_mask[..., None], three_d_embeddings, embeddings)
    return embeddings

if __name__ == "__main__":
    import jax
    _d = setup_inputs()
    print(jax.jit(kernel)(*tuple(_d.values())))

</pallas_src>

<mosaic_0001>
#map = affine_map<(d0, d1) -> (0)>
#map1 = affine_map<(d0, d1) -> (0, 0)>
module attributes {stable_mosaic.version = 14 : i64} {
  func.func @k(%arg0: i32, %arg1: i32, %arg2: memref<6144xi32, #tpu.memory_space<hbm>>, %arg3: memref<50257x1024xf32, #tpu.memory_space<hbm>>, %arg4: memref<8704x1024xf32, #tpu.memory_space<hbm>>, %arg5: memref<6152x1024xf32, #tpu.memory_space<hbm>>, %arg6: memref<192xi32, #tpu.memory_space<vmem>>, %arg7: memref<16x1024xf32, #tpu.memory_space<vmem>>, %arg8: memref<16x1024xf32, #tpu.memory_space<vmem>>, %arg9: memref<16x1024xf32, #tpu.memory_space<vmem>>, %arg10: memref<16x1024xf32, #tpu.memory_space<vmem>>, %arg11: memref<!tpu.dma_semaphore, #tpu.memory_space<semaphore_mem>>, %arg12: memref<!tpu.dma_semaphore, #tpu.memory_space<semaphore_mem>>, %arg13: memref<!tpu.dma_semaphore, #tpu.memory_space<semaphore_mem>>, %arg14: memref<!tpu.dma_semaphore, #tpu.memory_space<semaphore_mem>>, %arg15: memref<!tpu.dma_semaphore, #tpu.memory_space<semaphore_mem>>, %arg16: memref<!tpu.dma_semaphore, #tpu.memory_space<semaphore_mem>>, %arg17: memref<!tpu.dma_semaphore, #tpu.memory_space<semaphore_mem>>, %arg18: memref<!tpu.dma_semaphore, #tpu.memory_space<semaphore_mem>>) attributes {dimension_semantics = [#tpu.dimension_semantics<core_parallel>, #tpu.dimension_semantics<subcore_parallel>], iteration_bounds = array<i64: 2, 16>, scalar_prefetch = 0 : i64, scratch_operands = 13 : i64, tpu.core_type = #tpu.core_type<sc_vector_subcore>, window_params = [{transform_indices = #map}, {transform_indices = #map1}, {transform_indices = #map1}, {transform_indices = #map1}]} {
    %mul3A = arith.constant 2 : i32
    %mul3A_0 = arith.muli %arg1, %mul3A : i32
    %add3A = arith.addi %mul3A_0, %arg0 : i32
    %mul3A_1 = arith.constant 192 : i32
    %mul3A_2 = arith.muli %add3A, %mul3A_1 : i32
    %multiple_of3A = tpu.assume_multiple %mul3A_2, 16 : i32
    "tpu.region"() ({
      %run_scoped3A = tpu.sem_alloc : memref<!tpu.dma_semaphore, #tpu.memory_space<semaphore_mem>>
      %dma_start3A_96 = tpu.memref_slice %arg2[%multiple_of3A] : memref<6144xi32, #tpu.memory_space<hbm>> -> memref<192xi32, #tpu.memory_space<hbm>>
      %dma_start3A_97 = tpu.memref_slice %arg2[%multiple_of3A] : memref<6144xi32, #tpu.memory_space<hbm>> -> memref<192xi32, #tpu.memory_space<hbm>>
      tpu.enqueue_dma source(%dma_start3A_97 : memref<192xi32, #tpu.memory_space<hbm>>) target(%arg6 : memref<192xi32, #tpu.memory_space<vmem>>) target_semaphore(%run_scoped3A : memref<!tpu.dma_semaphore, #tpu.memory_space<semaphore_mem>>)
      %dma_wait3A_98 = tpu.memref_slice %arg2[%multiple_of3A] : memref<6144xi32, #tpu.memory_space<hbm>> -> memref<192xi32, #tpu.memory_space<hbm>>
      %dma_wait3A_99 = tpu.memref_slice %arg2[%multiple_of3A] : memref<6144xi32, #tpu.memory_space<hbm>> -> memref<192xi32, #tpu.memory_space<hbm>>
      tpu.wait_dma2 semaphore(%run_scoped3A : memref<!tpu.dma_semaphore, #tpu.memory_space<semaphore_mem>>) src(%dma_wait3A_99 : memref<192xi32, #tpu.memory_space<hbm>>) dst(%arg6 : memref<192xi32, #tpu.memory_space<vmem>>)
      tpu.yield
    }) : () -> ()
    %iota3A = tpu.iota {dimensions = array<i32: 0>} : vector<16xi32>
    %multiple_of3A_3 = arith.constant 0 : i32
    %multiple_of3A_4 = tpu.assume_multiple %multiple_of3A_3, 16 : i32
    %get3A = arith.index_cast %multiple_of3A_4 : i32 to index
    %get3A_5 = tpu.vector_load %arg6[%get3A] {strides = array<i32>} : memref<192xi32, #tpu.memory_space<vmem>>, vector<16xi32>,
    %get3A_6 = vector.shape_cast %get3A_5 : vector<16xi32> to vector<16xi32>
    %lt3A = arith.constant 50257 : i32
    %lt3A_7 = vector.broadcast %lt3A : i32 to vector<16xi32>
    %lt3A_8 = arith.cmpi slt, %get3A_6, %lt3A_7 : vector<16xi32>
    %add3A_9 = arith.addi %multiple_of3A, %multiple_of3A_4 : i32
    %add3A_10 = vector.broadcast %add3A_9 : i32 to vector<16xi32>
    %add3A_11 = arith.addi %add3A_10, %iota3A : vector<16xi32>
    %jit3A = arith.constant 0 : i32
    %broadcast_in_dim3A = vector.broadcast %jit3A : i32 to vector<16xi32>
    %select_n3A = arith.select %lt3A_8, %get3A_6, %broadcast_in_dim3A : vector<16xi1>, vector<16xi32>
    %sub3A = arith.constant 50257 : i32
    %sub3A_12 = vector.broadcast %sub3A : i32 to vector<16xi32>
    %sub3A_13 = arith.subi %get3A_6, %sub3A_12 : vector<16xi32>
    %jit3A_14 = arith.constant 0 : i32
    %broadcast_in_dim3A_15 = vector.broadcast %jit3A_14 : i32 to vector<16xi32>
    %select_n3A_16 = arith.select %lt3A_8, %broadcast_in_dim3A_15, %sub3A_13 : vector<16xi1>, vector<16xi32>
    %jit3A_17 = arith.constant 6144 : i32
    %broadcast_in_dim3A_18 = vector.broadcast %jit3A_17 : i32 to vector<16xi32>
    %select_n3A_19 = arith.select %lt3A_8, %add3A_11, %broadcast_in_dim3A_18 : vector<16xi1>, vector<16xi32>
    %jit3A_20 = arith.constant 6144 : i32
    %broadcast_in_dim3A_21 = vector.broadcast %jit3A_20 : i32 to vector<16xi32>
    %select_n3A_22 = arith.select %lt3A_8, %broadcast_in_dim3A_21, %add3A_11 : vector<16xi1>, vector<16xi32>
    %dma_start3A = arith.constant 0 : i32
    %dma_start3A_23 = arith.constant 0 : i32
    %dma_start3A_24 = tpu.memref_slice %arg3[%dma_start3A, %dma_start3A_23] : memref<50257x1024xf32, #tpu.memory_space<hbm>> -> memref<50257x1024xf32, #tpu.memory_space<hbm>>
    tpu.enqueue_indirect_dma source(%dma_start3A_24 : memref<50257x1024xf32, #tpu.memory_space<hbm>>) target(%arg7 : memref<16x1024xf32, #tpu.memory_space<vmem>>) offsets(%select_n3A : vector<16xi32>) semaphore(%arg11 : memref<!tpu.dma_semaphore, #tpu.memory_space<semaphore_mem>>)
    %dma_start3A_25 = arith.constant 0 : i32
    %dma_start3A_26 = arith.constant 0 : i32
    %dma_start3A_27 = tpu.memref_slice %arg4[%dma_start3A_25, %dma_start3A_26] : memref<8704x1024xf32, #tpu.memory_space<hbm>> -> memref<8704x1024xf32, #tpu.memory_space<hbm>>
    tpu.enqueue_indirect_dma source(%dma_start3A_27 : memref<8704x1024xf32, #tpu.memory_space<hbm>>) target(%arg9 : memref<16x1024xf32, #tpu.memory_space<vmem>>) offsets(%select_n3A_16 : vector<16xi32>) semaphore(%arg15 : memref<!tpu.dma_semaphore, #tpu.memory_space<semaphore_mem>>)
    %scan3A = arith.constant 0 : i32
    %scan3A_28 = arith.constant 0 : i32
    %scan3A_29 = arith.constant 6 : i32
    %scan3A_30 = arith.addi %scan3A_28, %scan3A_29 : i32
    %scan3A_31 = arith.constant 1 : i32
    scf.for %scan3A_96 = %scan3A_28 to %scan3A_30 step %scan3A_31  : i32 {
      %mul3A_97 = arith.constant 2 : i32
      %mul3A_98 = arith.muli %mul3A_97, %scan3A_96 : i32
      %add3A_99 = arith.constant 0 : i32
      %add3A_100 = arith.addi %mul3A_98, %add3A_99 : i32
      %add3A_101 = arith.constant 1 : i32
      %add3A_102 = arith.addi %add3A_100, %add3A_101 : i32
      %lt3A_103 = arith.constant 12 : i32
      %lt3A_104 = arith.cmpi slt, %add3A_102, %lt3A_103 : i32
      %convert_element_type3A = arith.extui %lt3A_104 : i1 to i32
      %cond3A = arith.constant 0 : i32
      %cond3A_105 = arith.cmpi ne, %convert_element_type3A, %cond3A : i32
      scf.if %cond3A_105 {
        %ge3A = arith.constant 1 : i32
        %ge3A_195 = arith.cmpi sge, %add3A_100, %ge3A : i32
        %convert_element_type3A_196 = arith.extui %ge3A_195 : i1 to i32
        %cond3A_197 = arith.constant 0 : i32
        %cond3A_198 = arith.cmpi ne, %convert_element_type3A_196, %cond3A_197 : i32
        scf.if %cond3A_198 {
          %sub3A_234 = arith.constant 1 : i32
          %sub3A_235 = arith.subi %add3A_100, %sub3A_234 : i32
          %mul3A_236 = arith.constant 16 : i32
          %mul3A_237 = arith.muli %sub3A_235, %mul3A_236 : i32
          %multiple_of3A_238 = tpu.assume_multiple %mul3A_237, 16 : i32
          %get3A_239 = arith.index_cast %multiple_of3A_238 : i32 to index
          %get3A_240 = tpu.vector_load %arg6[%get3A_239] {strides = array<i32>} : memref<192xi32, #tpu.memory_space<vmem>>, vector<16xi32>,
          %get3A_241 = vector.shape_cast %get3A_240 : vector<16xi32> to vector<16xi32>
          %lt3A_242 = arith.constant 50257 : i32
          %lt3A_243 = vector.broadcast %lt3A_242 : i32 to vector<16xi32>
          %lt3A_244 = arith.cmpi slt, %get3A_241, %lt3A_243 : vector<16xi32>
          %add3A_245 = arith.addi %multiple_of3A, %multiple_of3A_238 : i32
          %add3A_246 = vector.broadcast %add3A_245 : i32 to vector<16xi32>
          %add3A_247 = arith.addi %add3A_246, %iota3A : vector<16xi32>
          %jit3A_248 = arith.constant 0 : i32
          %broadcast_in_dim3A_249 = vector.broadcast %jit3A_248 : i32 to vector<16xi32>
          %select_n3A_250 = arith.select %lt3A_244, %get3A_241, %broadcast_in_dim3A_249 : vector<16xi1>, vector<16xi32>
          %sub3A_251 = arith.constant 50257 : i32
          %sub3A_252 = vector.broadcast %sub3A_251 : i32 to vector<16xi32>
          %sub3A_253 = arith.subi %get3A_241, %sub3A_252 : vector<16xi32>
          %jit3A_254 = arith.constant 0 : i32
          %broadcast_in_dim3A_255 = vector.broadcast %jit3A_254 : i32 to vector<16xi32>
          %select_n3A_256 = arith.select %lt3A_244, %broadcast_in_dim3A_255, %sub3A_253 : vector<16xi1>, vector<16xi32>
          %jit3A_257 = arith.constant 6144 : i32
          %broadcast_in_dim3A_258 = vector.broadcast %jit3A_257 : i32 to vector<16xi32>
          %select_n3A_259 = arith.select %lt3A_244, %add3A_247, %broadcast_in_dim3A_258 : vector<16xi1>, vector<16xi32>
          %jit3A_260 = arith.constant 6144 : i32
          %broadcast_in_dim3A_261 = vector.broadcast %jit3A_260 : i32 to vector<16xi32>
          %select_n3A_262 = arith.select %lt3A_244, %broadcast_in_dim3A_261, %add3A_247 : vector<16xi1>, vector<16xi32>
          %dma_wait3A_263 = arith.constant 0 : i32
          %dma_wait3A_264 = arith.constant 0 : i32
          %dma_wait3A_265 = tpu.memref_slice %arg5[%dma_wait3A_263, %dma_wait3A_264] : memref<6152x1024xf32, #tpu.memory_space<hbm>> -> memref<6152x1024xf32, #tpu.memory_space<hbm>>
          tpu.wait_indirect_dma semaphore(%arg14 : memref<!tpu.dma_semaphore, #tpu.memory_space<semaphore_mem>>) src(%arg8 : memref<16x1024xf32, #tpu.memory_space<vmem>>) dst(%dma_wait3A_265 : memref<6152x1024xf32, #tpu.memory_space<hbm>>)
          %dma_wait3A_266 = arith.constant 0 : i32
          %dma_wait3A_267 = arith.constant 0 : i32
          %dma_wait3A_268 = tpu.memref_slice %arg5[%dma_wait3A_266, %dma_wait3A_267] : memref<6152x1024xf32, #tpu.memory_space<hbm>> -> memref<6152x1024xf32, #tpu.memory_space<hbm>>
          tpu.wait_indirect_dma semaphore(%arg18 : memref<!tpu.dma_semaphore, #tpu.memory_space<semaphore_mem>>) src(%arg10 : memref<16x1024xf32, #tpu.memory_space<vmem>>) dst(%dma_wait3A_268 : memref<6152x1024xf32, #tpu.memory_space<hbm>>)
        } else {
        }
        %add3A_199 = arith.constant 1 : i32
        %add3A_200 = arith.addi %add3A_100, %add3A_199 : i32
        %mul3A_201 = arith.constant 16 : i32
        %mul3A_202 = arith.muli %add3A_200, %mul3A_201 : i32
        %multiple_of3A_203 = tpu.assume_multiple %mul3A_202, 16 : i32
        %get3A_204 = arith.index_cast %multiple_of3A_203 : i32 to index
        %get3A_205 = tpu.vector_load %arg6[%get3A_204] {strides = array<i32>} : memref<192xi32, #tpu.memory_space<vmem>>, vector<16xi32>,
        %get3A_206 = vector.shape_cast %get3A_205 : vector<16xi32> to vector<16xi32>
        %lt3A_207 = arith.constant 50257 : i32
        %lt3A_208 = vector.broadcast %lt3A_207 : i32 to vector<16xi32>
        %lt3A_209 = arith.cmpi slt, %get3A_206, %lt3A_208 : vector<16xi32>
        %add3A_210 = arith.addi %multiple_of3A, %multiple_of3A_203 : i32
        %add3A_211 = vector.broadcast %add3A_210 : i32 to vector<16xi32>
        %add3A_212 = arith.addi %add3A_211, %iota3A : vector<16xi32>
        %jit3A_213 = arith.constant 0 : i32
        %broadcast_in_dim3A_214 = vector.broadcast %jit3A_213 : i32 to vector<16xi32>
        %select_n3A_215 = arith.select %lt3A_209, %get3A_206, %broadcast_in_dim3A_214 : vector<16xi1>, vector<16xi32>
        %sub3A_216 = arith.constant 50257 : i32
        %sub3A_217 = vector.broadcast %sub3A_216 : i32 to vector<16xi32>
        %sub3A_218 = arith.subi %get3A_206, %sub3A_217 : vector<16xi32>
        %jit3A_219 = arith.constant 0 : i32
        %broadcast_in_dim3A_220 = vector.broadcast %jit3A_219 : i32 to vector<16xi32>
        %select_n3A_221 = arith.select %lt3A_209, %broadcast_in_dim3A_220, %sub3A_218 : vector<16xi1>, vector<16xi32>
        %jit3A_222 = arith.constant 6144 : i32
        %broadcast_in_dim3A_223 = vector.broadcast %jit3A_222 : i32 to vector<16xi32>
        %select_n3A_224 = arith.select %lt3A_209, %add3A_212, %broadcast_in_dim3A_223 : vector<16xi1>, vector<16xi32>
        %jit3A_225 = arith.constant 6144 : i32
        %broadcast_in_dim3A_226 = vector.broadcast %jit3A_225 : i32 to vector<16xi32>
        %select_n3A_227 = arith.select %lt3A_209, %broadcast_in_dim3A_226, %add3A_212 : vector<16xi1>, vector<16xi32>
        %dma_start3A_228 = arith.constant 0 : i32
        %dma_start3A_229 = arith.constant 0 : i32
        %dma_start3A_230 = tpu.memref_slice %arg3[%dma_start3A_228, %dma_start3A_229] : memref<50257x1024xf32, #tpu.memory_space<hbm>> -> memref<50257x1024xf32, #tpu.memory_space<hbm>>
        tpu.enqueue_indirect_dma source(%dma_start3A_230 : memref<50257x1024xf32, #tpu.memory_space<hbm>>) target(%arg8 : memref<16x1024xf32, #tpu.memory_space<vmem>>) offsets(%select_n3A_215 : vector<16xi32>) semaphore(%arg12 : memref<!tpu.dma_semaphore, #tpu.memory_space<semaphore_mem>>)
        %dma_start3A_231 = arith.constant 0 : i32
        %dma_start3A_232 = arith.constant 0 : i32
        %dma_start3A_233 = tpu.memref_slice %arg4[%dma_start3A_231, %dma_start3A_232] : memref<8704x1024xf32, #tpu.memory_space<hbm>> -> memref<8704x1024xf32, #tpu.memory_space<hbm>>
        tpu.enqueue_indirect_dma source(%dma_start3A_233 : memref<8704x1024xf32, #tpu.memory_space<hbm>>) target(%arg10 : memref<16x1024xf32, #tpu.memory_space<vmem>>) offsets(%select_n3A_221 : vector<16xi32>) semaphore(%arg16 : memref<!tpu.dma_semaphore, #tpu.memory_space<semaphore_mem>>)
      } else {
      }
      %mul3A_106 = arith.constant 16 : i32
      %mul3A_107 = arith.muli %add3A_100, %mul3A_106 : i32
      %multiple_of3A_108 = tpu.assume_multiple %mul3A_107, 16 : i32
      %get3A_109 = arith.index_cast %multiple_of3A_108 : i32 to index
      %get3A_110 = tpu.vector_load %arg6[%get3A_109] {strides = array<i32>} : memref<192xi32, #tpu.memory_space<vmem>>, vector<16xi32>,
      %get3A_111 = vector.shape_cast %get3A_110 : vector<16xi32> to vector<16xi32>
      %lt3A_112 = arith.constant 50257 : i32
      %lt3A_113 = vector.broadcast %lt3A_112 : i32 to vector<16xi32>
      %lt3A_114 = arith.cmpi slt, %get3A_111, %lt3A_113 : vector<16xi32>
      %add3A_115 = arith.addi %multiple_of3A, %multiple_of3A_108 : i32
      %add3A_116 = vector.broadcast %add3A_115 : i32 to vector<16xi32>
      %add3A_117 = arith.addi %add3A_116, %iota3A : vector<16xi32>
      %jit3A_118 = arith.constant 0 : i32
      %broadcast_in_dim3A_119 = vector.broadcast %jit3A_118 : i32 to vector<16xi32>
      %select_n3A_120 = arith.select %lt3A_114, %get3A_111, %broadcast_in_dim3A_119 : vector<16xi1>, vector<16xi32>
      %sub3A_121 = arith.constant 50257 : i32
      %sub3A_122 = vector.broadcast %sub3A_121 : i32 to vector<16xi32>
      %sub3A_123 = arith.subi %get3A_111, %sub3A_122 : vector<16xi32>
      %jit3A_124 = arith.constant 0 : i32
      %broadcast_in_dim3A_125 = vector.broadcast %jit3A_124 : i32 to vector<16xi32>
      %select_n3A_126 = arith.select %lt3A_114, %broadcast_in_dim3A_125, %sub3A_123 : vector<16xi1>, vector<16xi32>
      %jit3A_127 = arith.constant 6144 : i32
      %broadcast_in_dim3A_128 = vector.broadcast %jit3A_127 : i32 to vector<16xi32>
      %select_n3A_129 = arith.select %lt3A_114, %add3A_117, %broadcast_in_dim3A_128 : vector<16xi1>, vector<16xi32>
      %jit3A_130 = arith.constant 6144 : i32
      %broadcast_in_dim3A_131 = vector.broadcast %jit3A_130 : i32 to vector<16xi32>
      %select_n3A_132 = arith.select %lt3A_114, %broadcast_in_dim3A_131, %add3A_117 : vector<16xi1>, vector<16xi32>
      %dma_wait3A_133 = arith.constant 0 : i32
      %dma_wait3A_134 = arith.constant 0 : i32
      %dma_wait3A_135 = tpu.memref_slice %arg3[%dma_wait3A_133, %dma_wait3A_134] : memref<50257x1024xf32, #tpu.memory_space<hbm>> -> memref<50257x1024xf32, #tpu.memory_space<hbm>>
      tpu.wait_indirect_dma semaphore(%arg11 : memref<!tpu.dma_semaphore, #tpu.memory_space<semaphore_mem>>) src(%dma_wait3A_135 : memref<50257x1024xf32, #tpu.memory_space<hbm>>) dst(%arg7 : memref<16x1024xf32, #tpu.memory_space<vmem>>)
      %dma_start3A_136 = arith.constant 0 : i32
      %dma_start3A_137 = arith.constant 0 : i32
      %dma_start3A_138 = tpu.memref_slice %arg5[%dma_start3A_136, %dma_start3A_137] : memref<6152x1024xf32, #tpu.memory_space<hbm>> -> memref<6152x1024xf32, #tpu.memory_space<hbm>>
      tpu.enqueue_indirect_dma source(%arg7 : memref<16x1024xf32, #tpu.memory_space<vmem>>) target(%dma_start3A_138 : memref<6152x1024xf32, #tpu.memory_space<hbm>>) offsets(%select_n3A_129 : vector<16xi32>) semaphore(%arg13 : memref<!tpu.dma_semaphore, #tpu.memory_space<semaphore_mem>>)
      %dma_wait3A_139 = arith.constant 0 : i32
      %dma_wait3A_140 = arith.constant 0 : i32
      %dma_wait3A_141 = tpu.memref_slice %arg4[%dma_wait3A_139, %dma_wait3A_140] : memref<8704x1024xf32, #tpu.memory_space<hbm>> -> memref<8704x1024xf32, #tpu.memory_space<hbm>>
      tpu.wait_indirect_dma semaphore(%arg15 : memref<!tpu.dma_semaphore, #tpu.memory_space<semaphore_mem>>) src(%dma_wait3A_141 : memref<8704x1024xf32, #tpu.memory_space<hbm>>) dst(%arg9 : memref<16x1024xf32, #tpu.memory_space<vmem>>)
      %dma_start3A_142 = arith.constant 0 : i32
      %dma_start3A_143 = arith.constant 0 : i32
      %dma_start3A_144 = tpu.memref_slice %arg5[%dma_start3A_142, %dma_start3A_143] : memref<6152x1024xf32, #tpu.memory_space<hbm>> -> memref<6152x1024xf32, #tpu.memory_space<hbm>>
      tpu.enqueue_indirect_dma source(%arg9 : memref<16x1024xf32, #tpu.memory_space<vmem>>) target(%dma_start3A_144 : memref<6152x1024xf32, #tpu.memory_space<hbm>>) offsets(%select_n3A_132 : vector<16xi32>) semaphore(%arg17 : memref<!tpu.dma_semaphore, #tpu.memory_space<semaphore_mem>>)
      %mul3A_145 = arith.constant 2 : i32
      %mul3A_146 = arith.muli %mul3A_145, %scan3A_96 : i32
      %add3A_147 = arith.constant 1 : i32
      %add3A_148 = arith.addi %mul3A_146, %add3A_147 : i32
      %add3A_149 = arith.constant 1 : i32
      %add3A_150 = arith.addi %add3A_148, %add3A_149 : i32
      %lt3A_151 = arith.constant 12 : i32
      %lt3A_152 = arith.cmpi slt, %add3A_150, %lt3A_151 : i32
      %convert_element_type3A_153 = arith.extui %lt3A_152 : i1 to i32
      %cond3A_154 = arith.constant 0 : i32
      %cond3A_155 = arith.cmpi ne, %convert_element_type3A_153, %cond3A_154 : i32
      scf.if %cond3A_155 {
        %ge3A = arith.constant 1 : i32
        %ge3A_195 = arith.cmpi sge, %add3A_148, %ge3A : i32
        %convert_element_type3A_196 = arith.extui %ge3A_195 : i1 to i32
        %cond3A_197 = arith.constant 0 : i32
        %cond3A_198 = arith.cmpi ne, %convert_element_type3A_196, %cond3A_197 : i32
        scf.if %cond3A_198 {
          %sub3A_234 = arith.constant 1 : i32
          %sub3A_235 = arith.subi %add3A_148, %sub3A_234 : i32
          %mul3A_236 = arith.constant 16 : i32
          %mul3A_237 = arith.muli %sub3A_235, %mul3A_236 : i32
          %multiple_of3A_238 = tpu.assume_multiple %mul3A_237, 16 : i32
          %get3A_239 = arith.index_cast %multiple_of3A_238 : i32 to index
          %get3A_240 = tpu.vector_load %arg6[%get3A_239] {strides = array<i32>} : memref<192xi32, #tpu.memory_space<vmem>>, vector<16xi32>,
          %get3A_241 = vector.shape_cast %get3A_240 : vector<16xi32> to vector<16xi32>
          %lt3A_242 = arith.constant 50257 : i32
          %lt3A_243 = vector.broadcast %lt3A_242 : i32 to vector<16xi32>
          %lt3A_244 = arith.cmpi slt, %get3A_241, %lt3A_243 : vector<16xi32>
          %add3A_245 = arith.addi %multiple_of3A, %multiple_of3A_238 : i32
          %add3A_246 = vector.broadcast %add3A_245 : i32 to vector<16xi32>
          %add3A_247 = arith.addi %add3A_246, %iota3A : vector<16xi32>
          %jit3A_248 = arith.constant 0 : i32
          %broadcast_in_dim3A_249 = vector.broadcast %jit3A_248 : i32 to vector<16xi32>
          %select_n3A_250 = arith.select %lt3A_244, %get3A_241, %broadcast_in_dim3A_249 : vector<16xi1>, vector<16xi32>
          %sub3A_251 = arith.constant 50257 : i32
          %sub3A_252 = vector.broadcast %sub3A_251 : i32 to vector<16xi32>
          %sub3A_253 = arith.subi %get3A_241, %sub3A_252 : vector<16xi32>
          %jit3A_254 = arith.constant 0 : i32
          %broadcast_in_dim3A_255 = vector.broadcast %jit3A_254 : i32 to vector<16xi32>
          %select_n3A_256 = arith.select %lt3A_244, %broadcast_in_dim3A_255, %sub3A_253 : vector<16xi1>, vector<16xi32>
          %jit3A_257 = arith.constant 6144 : i32
          %broadcast_in_dim3A_258 = vector.broadcast %jit3A_257 : i32 to vector<16xi32>
          %select_n3A_259 = arith.select %lt3A_244, %add3A_247, %broadcast_in_dim3A_258 : vector<16xi1>, vector<16xi32>
          %jit3A_260 = arith.constant 6144 : i32
          %broadcast_in_dim3A_261 = vector.broadcast %jit3A_260 : i32 to vector<16xi32>
          %select_n3A_262 = arith.select %lt3A_244, %broadcast_in_dim3A_261, %add3A_247 : vector<16xi1>, vector<16xi32>
          %dma_wait3A_263 = arith.constant 0 : i32
          %dma_wait3A_264 = arith.constant 0 : i32
          %dma_wait3A_265 = tpu.memref_slice %arg5[%dma_wait3A_263, %dma_wait3A_264] : memref<6152x1024xf32, #tpu.memory_space<hbm>> -> memref<6152x1024xf32, #tpu.memory_space<hbm>>
          tpu.wait_indirect_dma semaphore(%arg13 : memref<!tpu.dma_semaphore, #tpu.memory_space<semaphore_mem>>) src(%arg7 : memref<16x1024xf32, #tpu.memory_space<vmem>>) dst(%dma_wait3A_265 : memref<6152x1024xf32, #tpu.memory_space<hbm>>)
          %dma_wait3A_266 = arith.constant 0 : i32
          %dma_wait3A_267 = arith.constant 0 : i32
          %dma_wait3A_268 = tpu.memref_slice %arg5[%dma_wait3A_266, %dma_wait3A_267] : memref<6152x1024xf32, #tpu.memory_space<hbm>> -> memref<6152x1024xf32, #tpu.memory_space<hbm>>
          tpu.wait_indirect_dma semaphore(%arg17 : memref<!tpu.dma_semaphore, #tpu.memory_space<semaphore_mem>>) src(%arg9 : memref<16x1024xf32, #tpu.memory_space<vmem>>) dst(%dma_wait3A_268 : memref<6152x1024xf32, #tpu.memory_space<hbm>>)
        } else {
        }
        %add3A_199 = arith.constant 1 : i32
        %add3A_200 = arith.addi %add3A_148, %add3A_199 : i32
        %mul3A_201 = arith.constant 16 : i32
        %mul3A_202 = arith.muli %add3A_200, %mul3A_201 : i32
        %multiple_of3A_203 = tpu.assume_multiple %mul3A_202, 16 : i32
        %get3A_204 = arith.index_cast %multiple_of3A_203 : i32 to index
        %get3A_205 = tpu.vector_load %arg6[%get3A_204] {strides = array<i32>} : memref<192xi32, #tpu.memory_space<vmem>>, vector<16xi32>,
        %get3A_206 = vector.shape_cast %get3A_205 : vector<16xi32> to vector<16xi32>
        %lt3A_207 = arith.constant 50257 : i32
        %lt3A_208 = vector.broadcast %lt3A_207 : i32 to vector<16xi32>
        %lt3A_209 = arith.cmpi slt, %get3A_206, %lt3A_208 : vector<16xi32>
        %add3A_210 = arith.addi %multiple_of3A, %multiple_of3A_203 : i32
        %add3A_211 = vector.broadcast %add3A_210 : i32 to vector<16xi32>
        %add3A_212 = arith.addi %add3A_211, %iota3A : vector<16xi32>
        %jit3A_213 = arith.constant 0 : i32
        %broadcast_in_dim3A_214 = vector.broadcast %jit3A_213 : i32 to vector<16xi32>
        %select_n3A_215 = arith.select %lt3A_209, %get3A_206, %broadcast_in_dim3A_214 : vector<16xi1>, vector<16xi32>
        %sub3A_216 = arith.constant 50257 : i32
        %sub3A_217 = vector.broadcast %sub3A_216 : i32 to vector<16xi32>
        %sub3A_218 = arith.subi %get3A_206, %sub3A_217 : vector<16xi32>
        %jit3A_219 = arith.constant 0 : i32
        %broadcast_in_dim3A_220 = vector.broadcast %jit3A_219 : i32 to vector<16xi32>
        %select_n3A_221 = arith.select %lt3A_209, %broadcast_in_dim3A_220, %sub3A_218 : vector<16xi1>, vector<16xi32>
        %jit3A_222 = arith.constant 6144 : i32
        %broadcast_in_dim3A_223 = vector.broadcast %jit3A_222 : i32 to vector<16xi32>
        %select_n3A_224 = arith.select %lt3A_209, %add3A_212, %broadcast_in_dim3A_223 : vector<16xi1>, vector<16xi32>
        %jit3A_225 = arith.constant 6144 : i32
        %broadcast_in_dim3A_226 = vector.broadcast %jit3A_225 : i32 to vector<16xi32>
        %select_n3A_227 = arith.select %lt3A_209, %broadcast_in_dim3A_226, %add3A_212 : vector<16xi1>, vector<16xi32>
        %dma_start3A_228 = arith.constant 0 : i32
        %dma_start3A_229 = arith.constant 0 : i32
        %dma_start3A_230 = tpu.memref_slice %arg3[%dma_start3A_228, %dma_start3A_229] : memref<50257x1024xf32, #tpu.memory_space<hbm>> -> memref<50257x1024xf32, #tpu.memory_space<hbm>>
        tpu.enqueue_indirect_dma source(%dma_start3A_230 : memref<50257x1024xf32, #tpu.memory_space<hbm>>) target(%arg7 : memref<16x1024xf32, #tpu.memory_space<vmem>>) offsets(%select_n3A_215 : vector<16xi32>) semaphore(%arg11 : memref<!tpu.dma_semaphore, #tpu.memory_space<semaphore_mem>>)
        %dma_start3A_231 = arith.constant 0 : i32
        %dma_start3A_232 = arith.constant 0 : i32
        %dma_start3A_233 = tpu.memref_slice %arg4[%dma_start3A_231, %dma_start3A_232] : memref<8704x1024xf32, #tpu.memory_space<hbm>> -> memref<8704x1024xf32, #tpu.memory_space<hbm>>
        tpu.enqueue_indirect_dma source(%dma_start3A_233 : memref<8704x1024xf32, #tpu.memory_space<hbm>>) target(%arg9 : memref<16x1024xf32, #tpu.memory_space<vmem>>) offsets(%select_n3A_221 : vector<16xi32>) semaphore(%arg15 : memref<!tpu.dma_semaphore, #tpu.memory_space<semaphore_mem>>)
      } else {
      }
      %mul3A_156 = arith.constant 16 : i32
      %mul3A_157 = arith.muli %add3A_148, %mul3A_156 : i32
      %multiple_of3A_158 = tpu.assume_multiple %mul3A_157, 16 : i32
      %get3A_159 = arith.index_cast %multiple_of3A_158 : i32 to index
      %get3A_160 = tpu.vector_load %arg6[%get3A_159] {strides = array<i32>} : memref<192xi32, #tpu.memory_space<vmem>>, vector<16xi32>,
      %get3A_161 = vector.shape_cast %get3A_160 : vector<16xi32> to vector<16xi32>
      %lt3A_162 = arith.constant 50257 : i32
      %lt3A_163 = vector.broadcast %lt3A_162 : i32 to vector<16xi32>
      %lt3A_164 = arith.cmpi slt, %get3A_161, %lt3A_163 : vector<16xi32>
      %add3A_165 = arith.addi %multiple_of3A, %multiple_of3A_158 : i32
      %add3A_166 = vector.broadcast %add3A_165 : i32 to vector<16xi32>
      %add3A_167 = arith.addi %add3A_166, %iota3A : vector<16xi32>
      %jit3A_168 = arith.constant 0 : i32
      %broadcast_in_dim3A_169 = vector.broadcast %jit3A_168 : i32 to vector<16xi32>
      %select_n3A_170 = arith.select %lt3A_164, %get3A_161, %broadcast_in_dim3A_169 : vector<16xi1>, vector<16xi32>
      %sub3A_171 = arith.constant 50257 : i32
      %sub3A_172 = vector.broadcast %sub3A_171 : i32 to vector<16xi32>
      %sub3A_173 = arith.subi %get3A_161, %sub3A_172 : vector<16xi32>
      %jit3A_174 = arith.constant 0 : i32
      %broadcast_in_dim3A_175 = vector.broadcast %jit3A_174 : i32 to vector<16xi32>
      %select_n3A_176 = arith.select %lt3A_164, %broadcast_in_dim3A_175, %sub3A_173 : vector<16xi1>, vector<16xi32>
      %jit3A_177 = arith.constant 6144 : i32
      %broadcast_in_dim3A_178 = vector.broadcast %jit3A_177 : i32 to vector<16xi32>
      %select_n3A_179 = arith.select %lt3A_164, %add3A_167, %broadcast_in_dim3A_178 : vector<16xi1>, vector<16xi32>
      %jit3A_180 = arith.constant 6144 : i32
      %broadcast_in_dim3A_181 = vector.broadcast %jit3A_180 : i32 to vector<16xi32>
      %select_n3A_182 = arith.select %lt3A_164, %broadcast_in_dim3A_181, %add3A_167 : vector<16xi1>, vector<16xi32>
      %dma_wait3A_183 = arith.constant 0 : i32
      %dma_wait3A_184 = arith.constant 0 : i32
      %dma_wait3A_185 = tpu.memref_slice %arg3[%dma_wait3A_183, %dma_wait3A_184] : memref<50257x1024xf32, #tpu.memory_space<hbm>> -> memref<50257x1024xf32, #tpu.memory_space<hbm>>
      tpu.wait_indirect_dma semaphore(%arg12 : memref<!tpu.dma_semaphore, #tpu.memory_space<semaphore_mem>>) src(%dma_wait3A_185 : memref<50257x1024xf32, #tpu.memory_space<hbm>>) dst(%arg8 : memref<16x1024xf32, #tpu.memory_space<vmem>>)
      %dma_start3A_186 = arith.constant 0 : i32
      %dma_start3A_187 = arith.constant 0 : i32
      %dma_start3A_188 = tpu.memref_slice %arg5[%dma_start3A_186, %dma_start3A_187] : memref<6152x1024xf32, #tpu.memory_space<hbm>> -> memref<6152x1024xf32, #tpu.memory_space<hbm>>
      tpu.enqueue_indirect_dma source(%arg8 : memref<16x1024xf32, #tpu.memory_space<vmem>>) target(%dma_start3A_188 : memref<6152x1024xf32, #tpu.memory_space<hbm>>) offsets(%select_n3A_179 : vector<16xi32>) semaphore(%arg14 : memref<!tpu.dma_semaphore, #tpu.memory_space<semaphore_mem>>)
      %dma_wait3A_189 = arith.constant 0 : i32
      %dma_wait3A_190 = arith.constant 0 : i32
      %dma_wait3A_191 = tpu.memref_slice %arg4[%dma_wait3A_189, %dma_wait3A_190] : memref<8704x1024xf32, #tpu.memory_space<hbm>> -> memref<8704x1024xf32, #tpu.memory_space<hbm>>
      tpu.wait_indirect_dma semaphore(%arg16 : memref<!tpu.dma_semaphore, #tpu.memory_space<semaphore_mem>>) src(%dma_wait3A_191 : memref<8704x1024xf32, #tpu.memory_space<hbm>>) dst(%arg10 : memref<16x1024xf32, #tpu.memory_space<vmem>>)
      %dma_start3A_192 = arith.constant 0 : i32
      %dma_start3A_193 = arith.constant 0 : i32
      %dma_start3A_194 = tpu.memref_slice %arg5[%dma_start3A_192, %dma_start3A_193] : memref<6152x1024xf32, #tpu.memory_space<hbm>> -> memref<6152x1024xf32, #tpu.memory_space<hbm>>
      tpu.enqueue_indirect_dma source(%arg10 : memref<16x1024xf32, #tpu.memory_space<vmem>>) target(%dma_start3A_194 : memref<6152x1024xf32, #tpu.memory_space<hbm>>) offsets(%select_n3A_182 : vector<16xi32>) semaphore(%arg18 : memref<!tpu.dma_semaphore, #tpu.memory_space<semaphore_mem>>)
    }
    %scan3A_32 = arith.constant 6 : i32
    %multiple_of3A_33 = arith.constant 160 : i32
    %multiple_of3A_34 = tpu.assume_multiple %multiple_of3A_33, 16 : i32
    %get3A_35 = arith.index_cast %multiple_of3A_34 : i32 to index
    %get3A_36 = tpu.vector_load %arg6[%get3A_35] {strides = array<i32>} : memref<192xi32, #tpu.memory_space<vmem>>, vector<16xi32>,
    %get3A_37 = vector.shape_cast %get3A_36 : vector<16xi32> to vector<16xi32>
    %lt3A_38 = arith.constant 50257 : i32
    %lt3A_39 = vector.broadcast %lt3A_38 : i32 to vector<16xi32>
    %lt3A_40 = arith.cmpi slt, %get3A_37, %lt3A_39 : vector<16xi32>
    %add3A_41 = arith.addi %multiple_of3A, %multiple_of3A_34 : i32
    %add3A_42 = vector.broadcast %add3A_41 : i32 to vector<16xi32>
    %add3A_43 = arith.addi %add3A_42, %iota3A : vector<16xi32>
    %jit3A_44 = arith.constant 0 : i32
    %broadcast_in_dim3A_45 = vector.broadcast %jit3A_44 : i32 to vector<16xi32>
    %select_n3A_46 = arith.select %lt3A_40, %get3A_37, %broadcast_in_dim3A_45 : vector<16xi1>, vector<16xi32>
    %sub3A_47 = arith.constant 50257 : i32
    %sub3A_48 = vector.broadcast %sub3A_47 : i32 to vector<16xi32>
    %sub3A_49 = arith.subi %get3A_37, %sub3A_48 : vector<16xi32>
    %jit3A_50 = arith.constant 0 : i32
    %broadcast_in_dim3A_51 = vector.broadcast %jit3A_50 : i32 to vector<16xi32>
    %select_n3A_52 = arith.select %lt3A_40, %broadcast_in_dim3A_51, %sub3A_49 : vector<16xi1>, vector<16xi32>
    %jit3A_53 = arith.constant 6144 : i32
    %broadcast_in_dim3A_54 = vector.broadcast %jit3A_53 : i32 to vector<16xi32>
    %select_n3A_55 = arith.select %lt3A_40, %add3A_43, %broadcast_in_dim3A_54 : vector<16xi1>, vector<16xi32>
    %jit3A_56 = arith.constant 6144 : i32
    %broadcast_in_dim3A_57 = vector.broadcast %jit3A_56 : i32 to vector<16xi32>
    %select_n3A_58 = arith.select %lt3A_40, %broadcast_in_dim3A_57, %add3A_43 : vector<16xi1>, vector<16xi32>
    %dma_wait3A = arith.constant 0 : i32
    %dma_wait3A_59 = arith.constant 0 : i32
    %dma_wait3A_60 = tpu.memref_slice %arg5[%dma_wait3A, %dma_wait3A_59] : memref<6152x1024xf32, #tpu.memory_space<hbm>> -> memref<6152x1024xf32, #tpu.memory_space<hbm>>
    tpu.wait_indirect_dma semaphore(%arg13 : memref<!tpu.dma_semaphore, #tpu.memory_space<semaphore_mem>>) src(%arg7 : memref<16x1024xf32, #tpu.memory_space<vmem>>) dst(%dma_wait3A_60 : memref<6152x1024xf32, #tpu.memory_space<hbm>>)
    %dma_wait3A_61 = arith.constant 0 : i32
    %dma_wait3A_62 = arith.constant 0 : i32
    %dma_wait3A_63 = tpu.memref_slice %arg5[%dma_wait3A_61, %dma_wait3A_62] : memref<6152x1024xf32, #tpu.memory_space<hbm>> -> memref<6152x1024xf32, #tpu.memory_space<hbm>>
    tpu.wait_indirect_dma semaphore(%arg17 : memref<!tpu.dma_semaphore, #tpu.memory_space<semaphore_mem>>) src(%arg9 : memref<16x1024xf32, #tpu.memory_space<vmem>>) dst(%dma_wait3A_63 : memref<6152x1024xf32, #tpu.memory_space<hbm>>)
    %multiple_of3A_64 = arith.constant 176 : i32
    %multiple_of3A_65 = tpu.assume_multiple %multiple_of3A_64, 16 : i32
    %get3A_66 = arith.index_cast %multiple_of3A_65 : i32 to index
    %get3A_67 = tpu.vector_load %arg6[%get3A_66] {strides = array<i32>} : memref<192xi32, #tpu.memory_space<vmem>>, vector<16xi32>,
    %get3A_68 = vector.shape_cast %get3A_67 : vector<16xi32> to vector<16xi32>
    %lt3A_69 = arith.constant 50257 : i32
    %lt3A_70 = vector.broadcast %lt3A_69 : i32 to vector<16xi32>
    %lt3A_71 = arith.cmpi slt, %get3A_68, %lt3A_70 : vector<16xi32>
    %add3A_72 = arith.addi %multiple_of3A, %multiple_of3A_65 : i32
    %add3A_73 = vector.broadcast %add3A_72 : i32 to vector<16xi32>
    %add3A_74 = arith.addi %add3A_73, %iota3A : vector<16xi32>
    %jit3A_75 = arith.constant 0 : i32
    %broadcast_in_dim3A_76 = vector.broadcast %jit3A_75 : i32 to vector<16xi32>
    %select_n3A_77 = arith.select %lt3A_71, %get3A_68, %broadcast_in_dim3A_76 : vector<16xi1>, vector<16xi32>
    %sub3A_78 = arith.constant 50257 : i32
    %sub3A_79 = vector.broadcast %sub3A_78 : i32 to vector<16xi32>
    %sub3A_80 = arith.subi %get3A_68, %sub3A_79 : vector<16xi32>
    %jit3A_81 = arith.constant 0 : i32
    %broadcast_in_dim3A_82 = vector.broadcast %jit3A_81 : i32 to vector<16xi32>
    %select_n3A_83 = arith.select %lt3A_71, %broadcast_in_dim3A_82, %sub3A_80 : vector<16xi1>, vector<16xi32>
    %jit3A_84 = arith.constant 6144 : i32
    %broadcast_in_dim3A_85 = vector.broadcast %jit3A_84 : i32 to vector<16xi32>
    %select_n3A_86 = arith.select %lt3A_71, %add3A_74, %broadcast_in_dim3A_85 : vector<16xi1>, vector<16xi32>
    %jit3A_87 = arith.constant 6144 : i32
    %broadcast_in_dim3A_88 = vector.broadcast %jit3A_87 : i32 to vector<16xi32>
    %select_n3A_89 = arith.select %lt3A_71, %broadcast_in_dim3A_88, %add3A_74 : vector<16xi1>, vector<16xi32>
    %dma_wait3A_90 = arith.constant 0 : i32
    %dma_wait3A_91 = arith.constant 0 : i32
    %dma_wait3A_92 = tpu.memref_slice %arg5[%dma_wait3A_90, %dma_wait3A_91] : memref<6152x1024xf32, #tpu.memory_space<hbm>> -> memref<6152x1024xf32, #tpu.memory_space<hbm>>
    tpu.wait_indirect_dma semaphore(%arg14 : memref<!tpu.dma_semaphore, #tpu.memory_space<semaphore_mem>>) src(%arg8 : memref<16x1024xf32, #tpu.memory_space<vmem>>) dst(%dma_wait3A_92 : memref<6152x1024xf32, #tpu.memory_space<hbm>>)
    %dma_wait3A_93 = arith.constant 0 : i32
    %dma_wait3A_94 = arith.constant 0 : i32
    %dma_wait3A_95 = tpu.memref_slice %arg5[%dma_wait3A_93, %dma_wait3A_94] : memref<6152x1024xf32, #tpu.memory_space<hbm>> -> memref<6152x1024xf32, #tpu.memory_space<hbm>>
    tpu.wait_indirect_dma semaphore(%arg18 : memref<!tpu.dma_semaphore, #tpu.memory_space<semaphore_mem>>) src(%arg10 : memref<16x1024xf32, #tpu.memory_space<vmem>>) dst(%dma_wait3A_95 : memref<6152x1024xf32, #tpu.memory_space<hbm>>)
    return
  }
}

module attributes {stable_mosaic.version = 14 : i64} {
  func.func @body(%arg0: i32, %arg1: memref<512x1024xf32, #tpu.memory_space<vmem>>, %arg2: memref<512x256xf32, #tpu.memory_space<vmem>>, %arg3: memref<1024x256xf32, #tpu.memory_space<vmem>>, %arg4: memref<512x1024xf32, #tpu.memory_space<vmem>>) attributes {dimension_semantics = [#tpu.dimension_semantics<arbitrary>], iteration_bounds = array<i64: 17>, scalar_prefetch = 0 : i64, scratch_operands = 0 : i64, tpu.core_type = #tpu.core_type<tc>, window_params = [{pipeline_mode = #tpu.pipeline_mode<synchronous>, transform_indices = @transform_0, window_bounds = array<i64: 512, 1024>}, {transform_indices = @transform_1, window_bounds = array<i64: 512, 256>}, {pipeline_mode = #tpu.pipeline_mode<synchronous>, transform_indices = @transform_2, window_bounds = array<i64: 1024, 256>}, {transform_indices = @transform_3, window_bounds = array<i64: 512, 1024>}]} {
    %eq3A = arith.constant 0 : i32
    %eq3A_0 = arith.cmpi eq, %arg0, %eq3A : i32
    %convert_element_type3A = arith.extui %eq3A_0 : i1 to i32
    %cond3A = arith.constant 0 : i32
    %cond3A_1 = arith.cmpi ne, %convert_element_type3A, %cond3A : i32
    scf.if %cond3A_1 {
      %get3A = arith.constant 0 : index
      %get3A_6 = arith.constant 0 : index
      %get3A_7 = vector.load %arg1[%get3A, %get3A_6] : memref<512x1024xf32, #tpu.memory_space<vmem>>, vector<512x1024xf32>
      %swap3A = arith.constant 0 : index
      %swap3A_8 = arith.constant 0 : index
      %swap3A_9 = vector.load %arg4[%swap3A, %swap3A_8] : memref<512x1024xf32, #tpu.memory_space<vmem>>, vector<512x1024xf32>
      tpu.vector_store %arg4[%swap3A, %swap3A_8], %get3A_7 {strides = array<i32>} : memref<512x1024xf32, #tpu.memory_space<vmem>>, vector<512x1024xf32>,
    } else {
    }
    %gt3A = arith.constant 0 : i32
    %gt3A_2 = arith.cmpi sgt, %arg0, %gt3A : i32
    %convert_element_type3A_3 = arith.extui %gt3A_2 : i1 to i32
    %cond3A_4 = arith.constant 0 : i32
    %cond3A_5 = arith.cmpi ne, %convert_element_type3A_3, %cond3A_4 : i32
    scf.if %cond3A_5 {
      %get3A = arith.constant 0 : index
      %get3A_6 = arith.constant 0 : index
      %get3A_7 = vector.load %arg2[%get3A, %get3A_6] : memref<512x256xf32, #tpu.memory_space<vmem>>, vector<512x256xf32>
      %get3A_8 = arith.constant 0 : index
      %get3A_9 = arith.constant 0 : index
      %get3A_10 = vector.load %arg3[%get3A_8, %get3A_9] : memref<1024x256xf32, #tpu.memory_space<vmem>>, vector<1024x256xf32>
      %dot_general3A = arith.constant dense<0.000000e+00> : vector<512x1024xf32>
      %dot_general3A_11 = tpu.matmul %get3A_7, %get3A_10, %dot_general3A {dimension_numbers = #tpu.dot_dimension_numbers<[1], [1], [0], [0], [0, 0, 1, 0], [], []>, transpose_lhs_hint = false} : vector<512x256xf32>, vector<1024x256xf32>, vector<512x1024xf32> -> vector<512x1024xf32>
      %swap3A = arith.constant 0 : index
      %swap3A_12 = arith.constant 0 : index
      %swap3A_13 = vector.load %arg4[%swap3A, %swap3A_12] : memref<512x1024xf32, #tpu.memory_space<vmem>>, vector<512x1024xf32>
      tpu.vector_store %arg4[%swap3A, %swap3A_12], %dot_general3A_11 {strides = array<i32>} : memref<512x1024xf32, #tpu.memory_space<vmem>>, vector<512x1024xf32>,
    } else {
    }
    return
  }
  func.func @transform_0(%arg0: i32) -> (i32, i32) {
    %c0_i32 = arith.constant 0 : i32
    %c0_i32_0 = arith.constant 0 : i32
    %c0_i32_1 = arith.constant 0 : i32
    return %c0_i32, %c0_i32_0 : i32, i32
  }
  func.func @transform_1(%arg0: i32) -> (i32, i32) {
    %sub3A = arith.constant 1 : i32
    %sub3A_0 = arith.subi %arg0, %sub3A : i32
    %max3A = arith.constant 0 : i32
    %max3A_1 = arith.maxsi %sub3A_0, %max3A : i32
    %c0_i32 = arith.constant 0 : i32
    %c0_i32_2 = arith.constant 0 : i32
    return %max3A_1, %c0_i32 : i32, i32
  }
  func.func @transform_2(%arg0: i32) -> (i32, i32) {
    %c0_i32 = arith.constant 0 : i32
    %c0_i32_0 = arith.constant 0 : i32
    %c0_i32_1 = arith.constant 0 : i32
    return %c0_i32, %c0_i32_0 : i32, i32
  }
  func.func @transform_3(%arg0: i32) -> (i32, i32) {
    %c0_i32 = arith.constant 0 : i32
    %c0_i32_0 = arith.constant 0 : i32
    return %arg0, %c0_i32 : i32, i32
  }
}

module attributes {stable_mosaic.version = 14 : i64} {
  func.func @body(%arg0: i32, %arg1: memref<256xi32, #tpu.memory_space<smem>>, %arg2: memref<50257x8x128xf32, #tpu.memory_space<hbm>>, %arg3: memref<8704x8x128xf32, #tpu.memory_space<hbm>>, %arg4: memref<256x8x128xf32, #tpu.memory_space<vmem>>, %arg5: memref<!tpu.dma_semaphore, #tpu.memory_space<semaphore_mem>>) attributes {dimension_semantics = [#tpu.dimension_semantics<arbitrary>], iteration_bounds = array<i64: 104>, scalar_prefetch = 0 : i64, scratch_operands = 1 : i64, tpu.core_type = #tpu.core_type<tc>, window_params = [{transform_indices = @transform_0, window_bounds = array<i64: 256>}, {}, {}, {transform_indices = @transform_3, window_bounds = array<i64: 256, 8, 128>}]} {
    %scan3A = arith.constant 0 : i32
    %scan3A_0 = arith.constant 64 : i32
    %scan3A_1 = arith.addi %scan3A, %scan3A_0 : i32
    %scan3A_2 = arith.constant 1 : i32
    scf.for %scan3A_7 = %scan3A to %scan3A_1 step %scan3A_2  : i32 {
      %mul3A = arith.constant 4 : i32
      %mul3A_8 = arith.muli %scan3A_7, %mul3A : i32
      %add3A = arith.constant 0 : i32
      %add3A_9 = arith.addi %mul3A_8, %add3A : i32
      %get3A = arith.index_cast %add3A_9 : i32 to index
      %get3A_10 = memref.load %arg1[%get3A] : memref<256xi32, #tpu.memory_space<smem>>
      %lt3A = arith.constant 50257 : i32
      %lt3A_11 = arith.cmpi slt, %get3A_10, %lt3A : i32
      %convert_element_type3A = arith.extui %lt3A_11 : i1 to i32
      %cond3A = arith.constant 0 : i32
      %cond3A_12 = arith.cmpi ne, %convert_element_type3A, %cond3A : i32
      scf.if %cond3A_12 {
        %dma_start3A = arith.constant 0 : i32
        %dma_start3A_65 = arith.constant 0 : i32
        %dma_start3A_66 = tpu.memref_slice %arg4[%add3A_9, %dma_start3A, %dma_start3A_65] : memref<256x8x128xf32, #tpu.memory_space<vmem>> -> memref<1x8x128xf32, #tpu.memory_space<vmem>>
        %dma_start3A_67 = arith.constant 0 : i32
        %dma_start3A_68 = arith.constant 0 : i32
        %dma_start3A_69 = tpu.memref_slice %arg2[%get3A_10, %dma_start3A_67, %dma_start3A_68] : memref<50257x8x128xf32, #tpu.memory_space<hbm>> -> memref<1x8x128xf32, #tpu.memory_space<hbm>>
        tpu.enqueue_dma source(%dma_start3A_69 : memref<1x8x128xf32, #tpu.memory_space<hbm>>) target(%dma_start3A_66 : memref<1x8x128xf32, #tpu.memory_space<vmem>>) target_semaphore(%arg5 : memref<!tpu.dma_semaphore, #tpu.memory_space<semaphore_mem>>)
      } else {
      }
      %ge3A = arith.constant 50257 : i32
      %ge3A_13 = arith.cmpi sge, %get3A_10, %ge3A : i32
      %convert_element_type3A_14 = arith.extui %ge3A_13 : i1 to i32
      %cond3A_15 = arith.constant 0 : i32
      %cond3A_16 = arith.cmpi ne, %convert_element_type3A_14, %cond3A_15 : i32
      scf.if %cond3A_16 {
        %sub3A = arith.constant 50257 : i32
        %sub3A_65 = arith.subi %get3A_10, %sub3A : i32
        %dma_start3A = arith.constant 0 : i32
        %dma_start3A_66 = arith.constant 0 : i32
        %dma_start3A_67 = tpu.memref_slice %arg4[%add3A_9, %dma_start3A, %dma_start3A_66] : memref<256x8x128xf32, #tpu.memory_space<vmem>> -> memref<1x8x128xf32, #tpu.memory_space<vmem>>
        %dma_start3A_68 = arith.constant 0 : i32
        %dma_start3A_69 = arith.constant 0 : i32
        %dma_start3A_70 = tpu.memref_slice %arg3[%sub3A_65, %dma_start3A_68, %dma_start3A_69] : memref<8704x8x128xf32, #tpu.memory_space<hbm>> -> memref<1x8x128xf32, #tpu.memory_space<hbm>>
        tpu.enqueue_dma source(%dma_start3A_70 : memref<1x8x128xf32, #tpu.memory_space<hbm>>) target(%dma_start3A_67 : memref<1x8x128xf32, #tpu.memory_space<vmem>>) target_semaphore(%arg5 : memref<!tpu.dma_semaphore, #tpu.memory_space<semaphore_mem>>)
      } else {
      }
      %mul3A_17 = arith.constant 4 : i32
      %mul3A_18 = arith.muli %scan3A_7, %mul3A_17 : i32
      %add3A_19 = arith.constant 1 : i32
      %add3A_20 = arith.addi %mul3A_18, %add3A_19 : i32
      %get3A_21 = arith.index_cast %add3A_20 : i32 to index
      %get3A_22 = memref.load %arg1[%get3A_21] : memref<256xi32, #tpu.memory_space<smem>>
      %lt3A_23 = arith.constant 50257 : i32
      %lt3A_24 = arith.cmpi slt, %get3A_22, %lt3A_23 : i32
      %convert_element_type3A_25 = arith.extui %lt3A_24 : i1 to i32
      %cond3A_26 = arith.constant 0 : i32
      %cond3A_27 = arith.cmpi ne, %convert_element_type3A_25, %cond3A_26 : i32
      scf.if %cond3A_27 {
        %dma_start3A = arith.constant 0 : i32
        %dma_start3A_65 = arith.constant 0 : i32
        %dma_start3A_66 = tpu.memref_slice %arg4[%add3A_20, %dma_start3A, %dma_start3A_65] : memref<256x8x128xf32, #tpu.memory_space<vmem>> -> memref<1x8x128xf32, #tpu.memory_space<vmem>>
        %dma_start3A_67 = arith.constant 0 : i32
        %dma_start3A_68 = arith.constant 0 : i32
        %dma_start3A_69 = tpu.memref_slice %arg2[%get3A_22, %dma_start3A_67, %dma_start3A_68] : memref<50257x8x128xf32, #tpu.memory_space<hbm>> -> memref<1x8x128xf32, #tpu.memory_space<hbm>>
        tpu.enqueue_dma source(%dma_start3A_69 : memref<1x8x128xf32, #tpu.memory_space<hbm>>) target(%dma_start3A_66 : memref<1x8x128xf32, #tpu.memory_space<vmem>>) target_semaphore(%arg5 : memref<!tpu.dma_semaphore, #tpu.memory_space<semaphore_mem>>)
      } else {
      }
      %ge3A_28 = arith.constant 50257 : i32
      %ge3A_29 = arith.cmpi sge, %get3A_22, %ge3A_28 : i32
      %convert_element_type3A_30 = arith.extui %ge3A_29 : i1 to i32
      %cond3A_31 = arith.constant 0 : i32
      %cond3A_32 = arith.cmpi ne, %convert_element_type3A_30, %cond3A_31 : i32
      scf.if %cond3A_32 {
        %sub3A = arith.constant 50257 : i32
        %sub3A_65 = arith.subi %get3A_22, %sub3A : i32
        %dma_start3A = arith.constant 0 : i32
        %dma_start3A_66 = arith.constant 0 : i32
        %dma_start3A_67 = tpu.memref_slice %arg4[%add3A_20, %dma_start3A, %dma_start3A_66] : memref<256x8x128xf32, #tpu.memory_space<vmem>> -> memref<1x8x128xf32, #tpu.memory_space<vmem>>
        %dma_start3A_68 = arith.constant 0 : i32
        %dma_start3A_69 = arith.constant 0 : i32
        %dma_start3A_70 = tpu.memref_slice %arg3[%sub3A_65, %dma_start3A_68, %dma_start3A_69] : memref<8704x8x128xf32, #tpu.memory_space<hbm>> -> memref<1x8x128xf32, #tpu.memory_space<hbm>>
        tpu.enqueue_dma source(%dma_start3A_70 : memref<1x8x128xf32, #tpu.memory_space<hbm>>) target(%dma_start3A_67 : memref<1x8x128xf32, #tpu.memory_space<vmem>>) target_semaphore(%arg5 : memref<!tpu.dma_semaphore, #tpu.memory_space<semaphore_mem>>)
      } else {
      }
      %mul3A_33 = arith.constant 4 : i32
      %mul3A_34 = arith.muli %scan3A_7, %mul3A_33 : i32
      %add3A_35 = arith.constant 2 : i32
      %add3A_36 = arith.addi %mul3A_34, %add3A_35 : i32
      %get3A_37 = arith.index_cast %add3A_36 : i32 to index
      %get3A_38 = memref.load %arg1[%get3A_37] : memref<256xi32, #tpu.memory_space<smem>>
      %lt3A_39 = arith.constant 50257 : i32
      %lt3A_40 = arith.cmpi slt, %get3A_38, %lt3A_39 : i32
      %convert_element_type3A_41 = arith.extui %lt3A_40 : i1 to i32
      %cond3A_42 = arith.constant 0 : i32
      %cond3A_43 = arith.cmpi ne, %convert_element_type3A_41, %cond3A_42 : i32
      scf.if %cond3A_43 {
        %dma_start3A = arith.constant 0 : i32
        %dma_start3A_65 = arith.constant 0 : i32
        %dma_start3A_66 = tpu.memref_slice %arg4[%add3A_36, %dma_start3A, %dma_start3A_65] : memref<256x8x128xf32, #tpu.memory_space<vmem>> -> memref<1x8x128xf32, #tpu.memory_space<vmem>>
        %dma_start3A_67 = arith.constant 0 : i32
        %dma_start3A_68 = arith.constant 0 : i32
        %dma_start3A_69 = tpu.memref_slice %arg2[%get3A_38, %dma_start3A_67, %dma_start3A_68] : memref<50257x8x128xf32, #tpu.memory_space<hbm>> -> memref<1x8x128xf32, #tpu.memory_space<hbm>>
        tpu.enqueue_dma source(%dma_start3A_69 : memref<1x8x128xf32, #tpu.memory_space<hbm>>) target(%dma_start3A_66 : memref<1x8x128xf32, #tpu.memory_space<vmem>>) target_semaphore(%arg5 : memref<!tpu.dma_semaphore, #tpu.memory_space<semaphore_mem>>)
      } else {
      }
      %ge3A_44 = arith.constant 50257 : i32
      %ge3A_45 = arith.cmpi sge, %get3A_38, %ge3A_44 : i32
      %convert_element_type3A_46 = arith.extui %ge3A_45 : i1 to i32
      %cond3A_47 = arith.constant 0 : i32
      %cond3A_48 = arith.cmpi ne, %convert_element_type3A_46, %cond3A_47 : i32
      scf.if %cond3A_48 {
        %sub3A = arith.constant 50257 : i32
        %sub3A_65 = arith.subi %get3A_38, %sub3A : i32
        %dma_start3A = arith.constant 0 : i32
        %dma_start3A_66 = arith.constant 0 : i32
        %dma_start3A_67 = tpu.memref_slice %arg4[%add3A_36, %dma_start3A, %dma_start3A_66] : memref<256x8x128xf32, #tpu.memory_space<vmem>> -> memref<1x8x128xf32, #tpu.memory_space<vmem>>
        %dma_start3A_68 = arith.constant 0 : i32
        %dma_start3A_69 = arith.constant 0 : i32
        %dma_start3A_70 = tpu.memref_slice %arg3[%sub3A_65, %dma_start3A_68, %dma_start3A_69] : memref<8704x8x128xf32, #tpu.memory_space<hbm>> -> memref<1x8x128xf32, #tpu.memory_space<hbm>>
        tpu.enqueue_dma source(%dma_start3A_70 : memref<1x8x128xf32, #tpu.memory_space<hbm>>) target(%dma_start3A_67 : memref<1x8x128xf32, #tpu.memory_space<vmem>>) target_semaphore(%arg5 : memref<!tpu.dma_semaphore, #tpu.memory_space<semaphore_mem>>)
      } else {
      }
      %mul3A_49 = arith.constant 4 : i32
      %mul3A_50 = arith.muli %scan3A_7, %mul3A_49 : i32
      %add3A_51 = arith.constant 3 : i32
      %add3A_52 = arith.addi %mul3A_50, %add3A_51 : i32
      %get3A_53 = arith.index_cast %add3A_52 : i32 to index
      %get3A_54 = memref.load %arg1[%get3A_53] : memref<256xi32, #tpu.memory_space<smem>>
      %lt3A_55 = arith.constant 50257 : i32
      %lt3A_56 = arith.cmpi slt, %get3A_54, %lt3A_55 : i32
      %convert_element_type3A_57 = arith.extui %lt3A_56 : i1 to i32
      %cond3A_58 = arith.constant 0 : i32
      %cond3A_59 = arith.cmpi ne, %convert_element_type3A_57, %cond3A_58 : i32
      scf.if %cond3A_59 {
        %dma_start3A = arith.constant 0 : i32
        %dma_start3A_65 = arith.constant 0 : i32
        %dma_start3A_66 = tpu.memref_slice %arg4[%add3A_52, %dma_start3A, %dma_start3A_65] : memref<256x8x128xf32, #tpu.memory_space<vmem>> -> memref<1x8x128xf32, #tpu.memory_space<vmem>>
        %dma_start3A_67 = arith.constant 0 : i32
        %dma_start3A_68 = arith.constant 0 : i32
        %dma_start3A_69 = tpu.memref_slice %arg2[%get3A_54, %dma_start3A_67, %dma_start3A_68] : memref<50257x8x128xf32, #tpu.memory_space<hbm>> -> memref<1x8x128xf32, #tpu.memory_space<hbm>>
        tpu.enqueue_dma source(%dma_start3A_69 : memref<1x8x128xf32, #tpu.memory_space<hbm>>) target(%dma_start3A_66 : memref<1x8x128xf32, #tpu.memory_space<vmem>>) target_semaphore(%arg5 : memref<!tpu.dma_semaphore, #tpu.memory_space<semaphore_mem>>)
      } else {
      }
      %ge3A_60 = arith.constant 50257 : i32
      %ge3A_61 = arith.cmpi sge, %get3A_54, %ge3A_60 : i32
      %convert_element_type3A_62 = arith.extui %ge3A_61 : i1 to i32
      %cond3A_63 = arith.constant 0 : i32
      %cond3A_64 = arith.cmpi ne, %convert_element_type3A_62, %cond3A_63 : i32
      scf.if %cond3A_64 {
        %sub3A = arith.constant 50257 : i32
        %sub3A_65 = arith.subi %get3A_54, %sub3A : i32
        %dma_start3A = arith.constant 0 : i32
        %dma_start3A_66 = arith.constant 0 : i32
        %dma_start3A_67 = tpu.memref_slice %arg4[%add3A_52, %dma_start3A, %dma_start3A_66] : memref<256x8x128xf32, #tpu.memory_space<vmem>> -> memref<1x8x128xf32, #tpu.memory_space<vmem>>
        %dma_start3A_68 = arith.constant 0 : i32
        %dma_start3A_69 = arith.constant 0 : i32
        %dma_start3A_70 = tpu.memref_slice %arg3[%sub3A_65, %dma_start3A_68, %dma_start3A_69] : memref<8704x8x128xf32, #tpu.memory_space<hbm>> -> memref<1x8x128xf32, #tpu.memory_space<hbm>>
        tpu.enqueue_dma source(%dma_start3A_70 : memref<1x8x128xf32, #tpu.memory_space<hbm>>) target(%dma_start3A_67 : memref<1x8x128xf32, #tpu.memory_space<vmem>>) target_semaphore(%arg5 : memref<!tpu.dma_semaphore, #tpu.memory_space<semaphore_mem>>)
      } else {
      }
    }
    %scan3A_3 = arith.constant 64 : i32
    %dma_wait3A = arith.constant 0 : i32
    %dma_wait3A_4 = arith.constant 0 : i32
    %dma_wait3A_5 = arith.constant 0 : i32
    %dma_wait3A_6 = tpu.memref_slice %arg2[%dma_wait3A, %dma_wait3A_4, %dma_wait3A_5] : memref<50257x8x128xf32, #tpu.memory_space<hbm>> -> memref<256x8x128xf32, #tpu.memory_space<hbm>>
    tpu.wait_dma2 semaphore(%arg5 : memref<!tpu.dma_semaphore, #tpu.memory_space<semaphore_mem>>) src(%dma_wait3A_6 : memref<256x8x128xf32, #tpu.memory_space<hbm>>) dst(%arg4 : memref<256x8x128xf32, #tpu.memory_space<vmem>>)
    return
  }
  func.func @transform_0(%arg0: i32) -> i32 {
    %c0_i32 = arith.constant 0 : i32
    return %arg0 : i32
  }
  func.func @transform_3(%arg0: i32) -> (i32, i32, i32) {
    %add3A = arith.constant 24 : i32
    %add3A_0 = arith.addi %arg0, %add3A : i32
    %c0_i32 = arith.constant 0 : i32
    %c0_i32_1 = arith.constant 0 : i32
    %c0_i32_2 = arith.constant 0 : i32
    return %add3A_0, %c0_i32, %c0_i32_1 : i32, i32, i32
  }
}

module attributes {stable_mosaic.version = 14 : i64} {
  func.func @body(%arg0: i32, %arg1: memref<256x8x128xf32, #tpu.memory_space<vmem>>, %arg2: memref<32768x8x128xf32, #tpu.memory_space<hbm>>, %arg3: memref<256x8x128xf32, #tpu.memory_space<vmem>>) attributes {dimension_semantics = [#tpu.dimension_semantics<arbitrary>], iteration_bounds = array<i64: 24>, scalar_prefetch = 0 : i64, scratch_operands = 0 : i64, tpu.core_type = #tpu.core_type<tc>, window_params = [{transform_indices = @transform_0, window_bounds = array<i64: 256, 8, 128>}, {}, {transform_indices = @transform_2, window_bounds = array<i64: 256, 8, 128>}]} {
    %get3A = arith.constant 0 : index
    %get3A_0 = arith.constant 0 : index
    %get3A_1 = arith.constant 0 : index
    %get3A_2 = vector.load %arg1[%get3A, %get3A_0, %get3A_1] : memref<256x8x128xf32, #tpu.memory_space<vmem>>, vector<256x8x128xf32>
    %swap3A = arith.constant 0 : index
    %swap3A_3 = arith.constant 0 : index
    %swap3A_4 = arith.constant 0 : index
    %swap3A_5 = vector.load %arg3[%swap3A, %swap3A_3, %swap3A_4] : memref<256x8x128xf32, #tpu.memory_space<vmem>>, vector<256x8x128xf32>
    tpu.vector_store %arg3[%swap3A, %swap3A_3, %swap3A_4], %get3A_2 {strides = array<i32>} : memref<256x8x128xf32, #tpu.memory_space<vmem>>, vector<256x8x128xf32>,
    return
  }
  func.func @transform_0(%arg0: i32) -> (i32, i32, i32) {
    %c0_i32 = arith.constant 0 : i32
    %c0_i32_0 = arith.constant 0 : i32
    %c0_i32_1 = arith.constant 0 : i32
    return %arg0, %c0_i32, %c0_i32_0 : i32, i32, i32
  }
  func.func @transform_2(%arg0: i32) -> (i32, i32, i32) {
    %c0_i32 = arith.constant 0 : i32
    %c0_i32_0 = arith.constant 0 : i32
    %c0_i32_1 = arith.constant 0 : i32
    return %arg0, %c0_i32, %c0_i32_0 : i32, i32, i32
  }
}

</mosaic_0001>

<sc_bundles>
// kernel: kernel.6.cloned.1.call-start
scs
__scs_entry_jumppad:
0x0: {  	(pc) =	sbr.rel $0x88, $3  }
0x1: {  	(tag) =	ssettag $0x0;
	lr =	simm.s32 $0x1  }
0x2: {  	[smem:$0x3F9C] =	sst lr;
	_ =	strace $0xD0000000  }
0x3: {  	_ = 	snop  }
0x4: {  	_ = 	snop  }
0x5: {  	_ = 	snop  }
0x6: {  	_ = 	snop  }
0x7: {  	_ = 	snop  }
__scs_overlays_trampoline_lowered:
0x8: {  	[smem:$0x3FAB] =	sst s0  }
0x9: {  	[smem:$0x3FAC] =	sst s1  }
0xa: {  	[smem:$0x3FAD] =	sst s2  }
0xb: {  	[smem:$0x3FAE] =	sst s3  }
0xc: {  	[smem:$0x3FAF] =	sst s4  }
0xd: {  	[smem:$0x3FB0] =	sst s5  }
0xe: {  	[smem:$0x3FB1] =	sst s6  }
0xf: {  	[smem:$0x3FB2] =	sst s7  }
0x10: {  	[smem:$0x3FB3] =	sst s8  }
0x11: {  	[smem:$0x3FB4] =	sst s9;
	s0 =	simm.s32 @!p0 $0x0  }
0x12: {  	s1 =	sld [smem:$0x3F9A];
	s0 =	simm.s32 @p0 $0x1  }
0x13: {  	[smem:$0x3FB5] =	sst s0;
	s0 =	simm.s32 @!p1 $0x0  }
0x14: {  	s2 =	sld [smem:$0x3F99];
	s0 =	simm.s32 @p1 $0x1  }
0x15: {  	[smem:$0x3FB6] =	sst s0;
	s0 =	simm.s32 @!p2 $0x0  }
0x16: {  	s3 =	sld [smem:$0x3FDB];
	s0 =	simm.s32 @p2 $0x1  }
0x17: {  	s4 =	simm.s32 $0x1BF5;
	[smem:$0x3FB8] =	sst s0  }
0x18: {  	s0 =	sld [smem:$0x3F9B];
	_ =	swait.ge [sflag:s4], $0x0  }
0x19: {  	s7 =	sld [smem:$0x3F9C]  }
0x1a: {  	s8 =	sadd.s32 $0xFFFFE003, lr  }
0x1b: {  	s9 =	sadd.s32 $0xFFFFFEF7, lr;
	s5 =	simm.s32 $0xFFFFFFFF;
	p2 =	slt.u32 s8, $0xFFFFF086  }
0x1c: {  	p1 =	slt.u32 s9, $0xF7A;
	s5 =	simm.s32 @!p2 $0x0  }
0x1d: {  	s5 =	simm.s32 @p1 $0x1;
	p0 =	seq.s32 s7, s2  }
0x1e: {  	s7 =	smul.u32 @!p0 $0xF7A, s2;
	p2 =	seq.s32 @!p0 s5, $0x0  }
0x1f: {  	s9 =	smul.u32 $0xF7A, s1;
	s8 =	simm.s32 @!p0 $0x1BF5;
	p2 =	por !p2, p0  }
0x20: {  	[sflag:s8] =	ssyncset.s32 @!p0 $0xFFFFF086;
	s6 =	sadd.s32 @!p0 s3, s7;
	s7 =	simm.s32 @!p0 $0x108  }
0x21: {  	s3 =	sadd.s32 s3, s9;
	s6 =	sadd.s32 @!p0 $0x88, s6;
	s7 =	simm.s32 @p2 $0x1082  }
0x22: {  	[simem:s7], [sflag:s8] =	dma.local @!p0 [hbm:s6], $0xF7A  }
0x23: {  	s9 =	sor.u32 $0xD0000000, s2;
	s6 =	simm.s32 $0x108;
	_ =	swait.ge @!p0 [sflag:s8], $0x0  }
0x24: {  	s3 =	sadd.s32 $0x88, s3;
	s6 =	simm.s32 @!p1 $0x1082;
	[sflag:s4] =	ssyncset.s32 $0xFFFFF086  }
0x25: {  	[simem:s6], [sflag:s4] =	dma.local [hbm:s3], $0xF7A  }
0x26: {  	[smem:$0x3F9C] =	sst s1;
	(tag) =	ssettag s2;
	_ =	strace s9  }
0x27: {  	s1 =	sld [smem:$0x3FAC]  }
0x28: {  	s2 =	sld [smem:$0x3FAD]  }
0x29: {  	s4 =	sld [smem:$0x3FAF]  }
0x2a: {  	p0 =	seq.s32 s5, $0x0;
	s5 =	sld [smem:$0x3FB0]  }
0x2b: {  	s6 =	sld [smem:$0x3FB1]  }
0x2c: {  	s7 =	sld [smem:$0x3FB2]  }
0x2d: {  	s3 =	simm.s32 $0x108;
	s8 =	sld [smem:$0x3FB3]  }
0x2e: {  	s3 =	simm.s32 @!p0 $0x1082;
	s9 =	sld [smem:$0x3FB4]  }
0x2f: {  	lr =	sadd.s32 s0, s3;
	s0 =	sld [smem:$0x3FAB]  }
0x30: {  	s3 =	sld [smem:$0x3FAE]  }
0x31: {  	[smem:$0x3FB7] =	sst s10  }
0x32: {  	s10 =	sld [smem:$0x3FB5];
	_ =	sdelay $0x3  }
0x33: {  	p0 =	seq.s32 s10, $0x1;
	s10 =	sld [smem:$0x3FB7];
	_ =	sdelay $0x3  }
0x34: {  	[smem:$0x3FB7] =	sst s10  }
0x35: {  	s10 =	sld [smem:$0x3FB6];
	_ =	sdelay $0x3  }
0x36: {  	p1 =	seq.s32 s10, $0x1;
	s10 =	sld [smem:$0x3FB7];
	_ =	sdelay $0x3  }
0x37: {  	[smem:$0x3FB7] =	sst s10  }
0x38: {  	s10 =	sld [smem:$0x3FB8]  }
0x39: {  	_ = 	snop;
	(pc) =	sbr.ind lr, $3  }
0x3a: {  	_ = 	snop  }
0x3b: {  	_ = 	snop  }
0x3c: {  	p2 =	seq.s32 s10, $0x1;
	s10 =	sld [smem:$0x3FB7]  }
0x3d: {  	_ =	shalt  }
0x3e: {  	_ =	shalt  }
0x3f: {  	_ =	shalt  }
0x40: {  	_ =	shalt  }
0x41: {  	_ =	shalt  }
0x42: {  	_ =	shalt  }
0x43: {  	_ =	shalt  }
0x44: {  	_ =	shalt  }
0x45: {  	_ =	shalt  }
0x46: {  	_ =	shalt  }
0x47: {  	_ =	shalt  }
0x48: {  	_ =	shalt  }
0x49: {  	_ =	shalt  }
0x4a: {  	_ =	shalt  }
0x4b: {  	_ =	shalt  }
0x4c: {  	_ =	shalt  }
0x4d: {  	_ =	shalt  }
0x4e: {  	_ =	shalt  }
0x4f: {  	_ =	shalt  }
0x50: {  	_ =	shalt  }
0x51: {  	_ =	shalt  }
0x52: {  	_ =	shalt  }
0x53: {  	_ =	shalt  }
0x54: {  	_ =	shalt  }
0x55: {  	_ =	shalt  }
0x56: {  	_ =	shalt  }
0x57: {  	_ =	shalt  }
0x58: {  	_ =	shalt  }
0x59: {  	_ =	shalt  }
0x5a: {  	_ =	shalt  }
0x5b: {  	_ =	shalt  }
0x5c: {  	_ =	shalt  }
0x5d: {  	_ =	shalt  }
0x5e: {  	_ =	shalt  }
0x5f: {  	_ =	shalt  }
0x60: {  	_ =	shalt  }
0x61: {  	_ =	shalt  }
0x62: {  	_ =	shalt  }
0x63: {  	_ =	shalt  }
0x64: {  	_ =	shalt  }
0x65: {  	_ =	shalt  }
0x66: {  	_ =	shalt  }
0x67: {  	_ =	shalt  }
0x68: {  	_ =	shalt  }
0x69: {  	_ =	shalt  }
0x6a: {  	_ =	shalt  }
0x6b: {  	_ =	shalt  }
0x6c: {  	_ =	shalt  }
0x6d: {  	_ =	shalt  }
0x6e: {  	_ =	shalt  }
0x6f: {  	_ =	shalt  }
0x70: {  	_ =	shalt  }
0x71: {  	_ =	shalt  }
0x72: {  	_ =	shalt  }
0x73: {  	_ =	shalt  }
0x74: {  	_ =	shalt  }
0x75: {  	_ =	shalt  }
0x76: {  	_ =	shalt  }
0x77: {  	_ =	shalt  }
0x78: {  	_ =	shalt  }
0x79: {  	_ =	shalt  }
0x7a: {  	_ =	shalt  }
0x7b: {  	_ =	shalt  }
0x7c: {  	_ =	shalt  }
0x7d: {  	_ =	shalt  }
0x7e: {  	_ =	shalt  }
0x7f: {  	_ =	shalt  }
0x80: {  	_ =	shalt  }
0x81: {  	_ =	shalt  }
0x82: {  	_ =	shalt  }
0x83: {  	_ =	shalt  }
0x84: {  	_ =	shalt  }
0x85: {  	_ =	shalt  }
0x86: {  	_ =	shalt  }
0x87: {  	_ =	shalt  }
.Lfunc_end0:
.L_simem_size_0:
called_computation.2_lowered:
.L_overlay_start_0:
0x88: {  	s2 =	sld [smem:$0x3FD9]  }
0x89: {  	s3 =	sld [smem:$0x3FFE];
	_ =	sdelay $0x1  }
0x8a: {  	s1 =	srdreg.scid  }
0x8b: {  	s0 =	sand.u32 $0x1, s1  }
0x8c: {  	s17 =	sshll.u32 s0, $0xA;
	s2 =	sadd.s32 s3, s2  }
0x8d: {  	s2 =	sadd.s32 s2, s17  }
0x8e: {  	[smem:$0x3FC3] =	sst s2  }
0x8f: {  	_ = 	snop  }
0x90: {  	s18 =	sld [smem:$0x3FC8]  }
0x91: {  	s4 =	sld [smem:$0x3FD0];
	(tm) =	ssettm $0x1  }
0x92: {  	s19 =	sld [smem:$0x3FFB];
	_ =	sdelay $0x3  }
0x93: {  	_ =	strace s19  }
0x94: {  	s2 =	sld [smem:$0x3FFC];
	_ =	sdelay $0x3  }
0x95: {  	_ =	strace s2  }
0x96: {  	s2 =	sld [smem:$0x3FFD];
	_ =	sdelay $0x3  }
0x97: {  	_ =	strace s2  }
0x98: {  	_ =	strace $0x8FFFFFFF  }
0x99: {  	s20 =	sld [smem:$0x3FDB];
	_ =	sdelay $0x1  }
0x9a: {  	s5 =	simm.s32 $_scs_section_size  }
0x9b: {  	s6 =	simm.s32 $_size__tile_overlayer_lowered;
	s7 =	simm.s32 $_tile_overlayer_lowered  }
0x9c: {  	s8 =	simm.s32 $0x1BFF;
	s21 =	sshll.u32 s7, $0x1;
	s5 =	sadd.s32 s5, s20  }
0x9d: {  	s22 =	simm.s32 $0x0;
	s6 =	sshll.u32 s6, $0x1;
	s7 =	sadd.s32 s21, s5  }
0x9e: {  	[timem:s22], [sflag:s8] =	dma.local [hbm:s7], s6  }
0x9f: {  	_ =	swait.ge [sflag:s8], s6  }
0xa0: {  	s6 =	ssub.s32 $0x0, s6;
	[sflag:s8] =	ssyncset.done $0x0  }
0xa1: {  	[sflag:s8] =	ssyncadd.s32 s6;
	_ =	sdelay $0x1  }
0xa2: {  	s23 =	simm.s32 $0x1B8B  }
0xa3: {  	_ =	swait.ge [sflag:s23], $0x1  }
0xa4: {  	[sflag:s23] =	ssyncset.done $0x0  }
0xa5: {  	[sflag:s23] =	ssyncadd.s32 $0xFFFFFFFF  }
0xa6: {  	s6 =	sld [smem:$0x0]  }
0xa7: {  	s7 =	sand.u32 $0xFFFFFFFE, s1  }
0xa8: {  	p0 =	sne.s32 s1, s7  }
0xa9: {  	s7 =	sshll.u32 @p0 s7, $0xE  }
0xaa: {  	s7 =	sadd.s32 @p0 $0x11B8D, s7;
	s8 =	sshll.u32 @p0 s6, $0x11  }
0xab: {  	s7 =	sor.u32 @p0 s8, s7  }
0xac: {  	[sflag:s7] =	ssyncadd.remote.s32 @p0 $0x1;
	_ =	sdelay $0x1  }
0xad: {  	s7 =	simm.s32 @p0 $0x1B8D  }
0xae: {  	_ =	swait.eq @p0 [sflag:s7], $0x1  }
0xaf: {  	[sflag:s7] =	ssyncadd.s32 @p0 $0xFFFFFFFF  }
0xb0: {  	s8 =	sshll.u32 @!p0 s1, $0xE  }
0xb1: {  	s8 =	sor.u32 @!p0 $0x4000, s8;
	s7 =	simm.s32 @!p0 $0x1B8D  }
0xb2: {  	s6 =	sshll.u32 @!p0 s6, $0x11;
	s8 =	sadd.s32 @!p0 $0x11B8D, s8;
	_ =	swait.eq @!p0 [sflag:s7], $0x1  }
0xb3: {  	s6 =	sor.u32 @!p0 s6, s8;
	[sflag:s7] =	ssyncadd.s32 @!p0 $0xFFFFFFFF  }
0xb4: {  	s25 =	simm.s32 $0x1B8E;
	s24 =	sld [smem:$0x3FFE];
	[sflag:s6] =	ssyncadd.remote.s32 @!p0 $0x1  }
0xb5: {  	s26 =	simm.s32 $execute0_lowered;
	[smem:$0x3FD2] =	sst s25  }
0xb6: {  	s7 =	sshll.u32 s26, $0x1;
	_ =	strace $0x8000004C;
	[dreg:$0x1] =	wrdreg $0xFFFFFFFF  }
0xb7: {  	s28 =	simm.s32 $_size_execute0_lowered;
	s5 =	sadd.s32 s5, s7;
	[dreg:$0x0] =	wrdreg $0x0  }
0xb8: {  	s7 =	sshll.u32 s28, $0x1;
	[dreg:$0x2] =	wrdreg s5  }
0xb9: {  	[dreg:$0x3] =	wrdreg s7  }
0xba: {  	[dreg:$0x4] =	wrdreg $0xC0  }
0xbb: {  	_ =	task [dreg:s22], $0x5FFFF  }
0xbc: {  	[dreg:$0x1] =	wrdreg $0xFFFFFFFF  }
0xbd: {  	[dreg:$0x0] =	wrdreg $0x60  }
0xbe: {  	[dreg:$0x2] =	wrdreg s24  }
0xbf: {  	[dreg:$0x3] =	wrdreg s18  }
0xc0: {  	[dreg:$0x4] =	wrdreg s4  }
0xc1: {  	[dreg:$0x5] =	wrdreg $0xB  }
0xc2: {  	_ =	task.clear_ibuf [dreg:s22], $0x6FFFF;
	_ =	strace $0x9000004C  }
0xc3: {  	s29 =	simm.s32 $0xB;
	_ =	strace $0x8000004E  }
0xc4: {  	_ =	swait.ge [sflag:s29], $0x1  }
0xc5: {  	[sflag:s29] =	ssyncadd.s32 $0xFFFFFFFF  }
0xc6: {  	_ =	strace $0x9000004E  }
0xc7: {  	_ =	sfence  }
0xc8: {  	s30 =	sld [smem:$0x0];
	_ =	sdelay $0x2  }
0xc9: {  	s31 =	sshll.u32 s1, $0xD;
	s1 =	sshrl.u32 s1, $0x2  }
0xca: {  	s4 =	sand.u32 $0x4000, s31;
	s1 =	sadd.s32 s1, s30  }
0xcb: {  	s0 =	sor.u32 s4, s0;
	s1 =	sshll.u32 s1, $0x11  }
0xcc: {  	s0 =	sor.u32 s1, s0  }
0xcd: {  	s0 =	sadd.s32 $0x8F2B, s0  }
0xce: {  	[sflag:s0] =	ssyncadd.remote.s32 $0x1  }
0xcf: {  	_ =	sfence.sel $0xFFFF  }
0xd0: {  	[dreg:$0x0] =	wrdreg $0xFFFFFFFF;
	(pc) =	sbr.abs _section_cstart, $3  }
0xd1: {  	[dreg:$0x1] =	wrdreg $0xFFFFFFFF  }
0xd2: {  	_ =	task.clear_ibuf [dreg:s22], $0x2FFFF;
	_ =	strace $0x9FFFFFFF  }
0xd3: {  	(tm) =	ssettm $0x7FFFFFFF  }
tec
execute0_lowered:
.L_overlay_start_1:
0x0: {  	(tag) =	ssettag $0x1  }
0x1: {  	s0 =	rddreg [dreg:$0x0]  }
0x2: {  	s1 =	srdreg.scid;
	s2 =	rddreg [dreg:$0x1]  }
0x3: {  	s10 =	stileid.u32;
	s3 =	rddreg [dreg:$0x2]  }
0x4: {  	s23 =	simm.s32 $0x4100;
	s30 =	simm.s32 $0xD900;
	s31 =	simm.s32 $0xE100  }
0x5: {  	s17 =	simm.s32 $0x5;
	s18 =	simm.s32 $0x2;
	s19 =	simm.s32 $0x6  }
0x6: {  	s22 =	simm.s32 $0x0;
	s1 =	sand.u32 $0x1, s1;
	s4 =	sshll.u32 s10, $0x1  }
0x7: {  	s9 =	sadd.s32 $0x300, s2;
	s16 =	smul.u32 $0x180, s10;
	s10 =	sadd.s32 $0x200, s3  }
0x8: {  	s11 =	sadd.s32 $0x300, s3;
	s12 =	sadd.s32 $0x100, s3;
	s13 =	sadd.s32 $0x734500, s0  }
0x9: {  	s14 =	sadd.s32 $0x734600, s0;
	s15 =	sadd.s32 $0x734700, s0;
	s5 =	sor.u32 s1, s4  }
0xa: {  	s4 =	simm.s32 $0x0;
	s6 =	ssub.s32 $0x2, s1;
	s1 =	smul.u32 $0xC0, s1  }
0xb: {  	s5 =	smul.u32 $0xC0, s5;
	[smem:$0x7FF] =	sst s4;
	s8 =	sshrl.u32 s6, $0x1  }
0xc: {  	_ =	strace $0x8000004D;
	s6 =	ssub.s32 s6, s8;
	s8 =	sadd.s32 $0x200, s2  }
.Ltmp0:
0xd: {  	s29 =	sadd.s32 s1, s16;
	s1 =	simm.s32 $0xE900;
	(pc) =	sbr.rel .LBB2_1-.Ltmp0, $4  }
0xe: {  	s16 =	simm.s32 $0x1;
	s5 =	sshrl.u32 s5, $0x3;
	s28 =	smax.u32 s6, $0x1  }
0xf: {  	v0 =	vlaneseq.u32;
	[dreg:$0x6] =	wrdreg s29;
	s6 =	simm.s32 $0xF900;
	s7 =	sadd.s32 s5, s0  }
0x10: {  	vm0 =	vmmov $0xffff;
	v2 =	vshrl.u32 v0, $0x3;
	s5 =	sadd.s32 $0x734400, s0;
	[dreg:$0x5] =	wrdreg s28;
	s7 =	sadd.s32 $0x734000, s7  }
0x11: {  	v1 =	vand.u32 $0x7, v0;
	v3 =	vor.u32 $0x8, v0;
	v2 =	vmul.u32 $0x8, v2;
	s0 =	simm.s32 $0xF100;
	[dreg:$0x4] =	wrdreg s7;
	s7 =	sadd.s32 $0x100, s2  }
.LBB2_5:
0x12: {  	s20 =	simm.s32 $0x3  }
0x13: {  	_ =	swait.ge [sflag:s20], $0x4000  }
0x14: {  	[sflag:s20] =	ssyncset.done $0x0  }
0x15: {  	s26 =	simm.s32 $0x7;
	[sflag:s20] =	ssyncadd.s32 $0xFFFFC000  }
0x16: {  	_ =	swait.ge [sflag:s26], $0x4000  }
0x17: {  	[sflag:s26] =	ssyncset.done $0x0  }
0x18: {  	s28 =	simm.s32 $0x4;
	[sflag:s26] =	ssyncadd.s32 $0xFFFFC000  }
0x19: {  	_ =	swait.ge [sflag:s28], $0x4000  }
0x1a: {  	[sflag:s28] =	ssyncset.done $0x0  }
0x1b: {  	s21 =	simm.s32 $0x8;
	[sflag:s28] =	ssyncadd.s32 $0xFFFFC000  }
0x1c: {  	_ =	swait.ge [sflag:s21], $0x4000  }
0x1d: {  	s22 =	rddreg [dreg:$0x7]  }
0x1e: {  	s29 =	rddreg [dreg:$0x5];
	s22 =	sadd.s32 $0x1, s22  }
0x1f: {  	p0 =	sne.s32 s22, s29  }
.Ltmp1:
0x20: {  	_ = 	snop;
	(pc) =	sbr.rel @!p0 .LBB2_6-.Ltmp1, $3  }
0x21: {  	_ =	sdelay $0x1  }
0x22: {  	[sflag:s21] =	ssyncset.done $0x0  }
0x23: {  	[sflag:s21] =	ssyncadd.s32 $0xFFFFC000  }
.LBB2_1:
0x24: {  	[dreg:$0x7] =	wrdreg s22  }
0x25: {  	s20 =	rddreg [dreg:$0x4];
	s26 =	simm.s32 $0x9  }
0x26: {  	[tilespmem:s4], [sflag:$0x9] =	stream.linear.gather [hbm4b:s20+s4], $0xC0, $0x38;
	[tilespmem:$0x10100] =	vst v63  }
0x27: {  	_ =	swait.ge [sflag:s26], $0xC0  }
0x28: {  	[sflag:s26] =	ssyncset.done $0x0  }
0x29: {  	[sflag:s26] =	ssyncadd.s32 $0xFFFFFF40  }
0x2a: {  	v4 =	vld [tilespmem:$0x0];
	_ =	sdelay $0x4  }
0x2b: {  	vm1 =	vlt.s32 v4, $0xC451  }
0x2c: {  	v5 =	vnsel vm1, $0x0, v4  }
0x2d: {  	v6 =	vshll.u32 v5, $0x3  }
0x2e: {  	v5 =	vand.u32 $0x7, v5;
	v6 =	vand.u32 $0xFFFFFFC0, v6  }
0x2f: {  	v5 =	vor.u32 v5, v6  }
0x30: {  	v6 =	vperm.xlane v5, v1;
	_ =	sdelay $0x1  }
0x31: {  	v6 =	vadd.s32 v2, v6;
	_ =	sdelay $0x3  }
0x32: {  	s28 =	simm.s32 $0x100  }
0x33: {  	[tilespmem:s28], [sflag:$0x1] =	stream.indirect_vreg.gather [hbm4b:s2+s4], $0x80, v6, vm0, $0xb8;
	[tilespmem:$0x10100] =	vst v63  }
0x34: {  	s29 =	simm.s32 $0x900;
	v5 =	vperm.xlane v5, v3  }
0x35: {  	[tilespmem:s29], [sflag:$0x1] =	stream.indirect_vreg.gather [hbm4b:s7+s4], $0x80, v6, vm0, $0xb8;
	[tilespmem:$0x10100] =	vst v63  }
0x36: {  	s21 =	simm.s32 $0x1100;
	v5 =	vadd.s32 v2, v5  }
0x37: {  	v4 =	vsel vm1, $0xC451, v4;
	[tilespmem:s21], [sflag:$0x1] =	stream.indirect_vreg.gather [hbm4b:s8+s4], $0x80, v6, vm0, $0xb8;
	[tilespmem:$0x10100] =	vst v63  }
0x38: {  	s22 =	simm.s32 $0x1900;
	v4 =	vadd.s32 $0xFFFF3BAF, v4  }
0x39: {  	v63 =	vshll.u32 v4, $0x3;
	[tilespmem:s22], [sflag:$0x1] =	stream.indirect_vreg.gather [hbm4b:s9+s4], $0x80, v6, vm0, $0xb8;
	[tilespmem:$0x10100] =	vst v63  }
0x3a: {  	s24 =	simm.s32 $0x2100;
	v4 =	vand.u32 $0x7, v4;
	v6 =	vand.u32 $0xFFFFFFC0, v63  }
0x3b: {  	v4 =	vor.u32 v4, v6;
	[tilespmem:s24], [sflag:$0x1] =	stream.indirect_vreg.gather [hbm4b:s2+s4], $0x80, v5, vm0, $0xb8;
	[tilespmem:$0x10100] =	vst v63  }
0x3c: {  	s25 =	simm.s32 $0x2900;
	v6 =	vperm.xlane v4, v1  }
0x3d: {  	[tilespmem:s25], [sflag:$0x1] =	stream.indirect_vreg.gather [hbm4b:s7+s4], $0x80, v5, vm0, $0xb8;
	[tilespmem:$0x10100] =	vst v63  }
0x3e: {  	s26 =	simm.s32 $0x3100;
	v6 =	vadd.s32 v2, v6  }
0x3f: {  	[tilespmem:s26], [sflag:$0x1] =	stream.indirect_vreg.gather [hbm4b:s8+s4], $0x80, v5, vm0, $0xb8;
	[tilespmem:$0x10100] =	vst v63  }
0x40: {  	s28 =	simm.s32 $0x3900  }
0x41: {  	[tilespmem:s28], [sflag:$0x1] =	stream.indirect_vreg.gather [hbm4b:s9+s4], $0x80, v5, vm0, $0xb8;
	[tilespmem:$0x10100] =	vst v63  }
0x42: {  	s29 =	simm.s32 $0x8100  }
0x43: {  	[tilespmem:s29], [sflag:$0x5] =	stream.indirect_vreg.gather [hbm4b:s3+s4], $0x80, v6, vm0, $0xb8;
	[tilespmem:$0x10100] =	vst v63  }
0x44: {  	s21 =	simm.s32 $0x8900;
	v4 =	vperm.xlane v4, v3  }
0x45: {  	[tilespmem:s21], [sflag:$0x5] =	stream.indirect_vreg.gather [hbm4b:s12+s4], $0x80, v6, vm0, $0xb8;
	[tilespmem:$0x10100] =	vst v63  }
0x46: {  	s22 =	simm.s32 $0x9100;
	v4 =	vadd.s32 v2, v4  }
0x47: {  	[tilespmem:s22], [sflag:$0x5] =	stream.indirect_vreg.gather [hbm4b:s10+s4], $0x80, v6, vm0, $0xb8;
	[tilespmem:$0x10100] =	vst v63  }
0x48: {  	s24 =	simm.s32 $0x9900  }
0x49: {  	[tilespmem:s24], [sflag:$0x5] =	stream.indirect_vreg.gather [hbm4b:s11+s4], $0x80, v6, vm0, $0xb8;
	[tilespmem:$0x10100] =	vst v63  }
0x4a: {  	s25 =	simm.s32 $0xA100  }
0x4b: {  	[tilespmem:s25], [sflag:$0x5] =	stream.indirect_vreg.gather [hbm4b:s3+s4], $0x80, v4, vm0, $0xb8;
	[tilespmem:$0x10100] =	vst v63  }
0x4c: {  	s26 =	simm.s32 $0xA900  }
0x4d: {  	[tilespmem:s26], [sflag:$0x5] =	stream.indirect_vreg.gather [hbm4b:s12+s4], $0x80, v4, vm0, $0xb8;
	[tilespmem:$0x10100] =	vst v63  }
.Ltmp2:
0x4e: {  	_ = 	snop;
	(pc) =	sbr.rel .LBB2_2-.Ltmp2, $4  }
0x4f: {  	s28 =	simm.s32 $0xB100  }
0x50: {  	[tilespmem:s28], [sflag:$0x5] =	stream.indirect_vreg.gather [hbm4b:s10+s4], $0x80, v4, vm0, $0xb8;
	[tilespmem:$0x10100] =	vst v63  }
0x51: {  	s20 =	simm.s32 $0x10;
	s29 =	simm.s32 $0xB900;
	s21 =	simm.s32 $0x0  }
0x52: {  	[tilespmem:s29], [sflag:$0x5] =	stream.indirect_vreg.gather [hbm4b:s11+s4], $0x80, v4, vm0, $0xb8;
	[tilespmem:$0x10100] =	vst v63  }
.LBB2_4:
0x53: {  	v4 =	vld [tilespmem:s20+$0x0];
	_ =	sdelay $0x3  }
0x54: {  	s22 =	sadd.s32 $0x10, s22  }
0x55: {  	vm1 =	vlt.s32 v4, $0xC451;
	v4 =	vor.u32 s22, v0  }
0x56: {  	v5 =	vnsel vm1, $0x1800, v4  }
0x57: {  	v6 =	vshll.u32 v5, $0x3  }
0x58: {  	v5 =	vand.u32 $0x7, v5;
	v6 =	vand.u32 $0xFFFFFFC0, v6  }
0x59: {  	v5 =	vor.u32 v5, v6  }
0x5a: {  	v6 =	vperm.xlane v5, v1;
	_ =	sdelay $0x1  }
0x5b: {  	v6 =	vadd.s32 v2, v6;
	_ =	sdelay $0x1  }
0x5c: {  	_ =	swait.ge [sflag:s18], $0x4000  }
0x5d: {  	[sflag:s18] =	ssyncset.done $0x0  }
0x5e: {  	s23 =	simm.s32 $0x4100;
	[sflag:s18] =	ssyncadd.s32 $0xFFFFC000  }
0x5f: {  	[hbm4b:s5+s4] =	stream.indirect_vreg.scatter [tilespmem:s23], [sflag:$0x4], $0x80, v6, vm0, $0xb8;
	[tilespmem:$0x10100] =	vst v63  }
0x60: {  	s22 =	simm.s32 $0x4900;
	v5 =	vperm.xlane v5, v3  }
0x61: {  	[hbm4b:s13+s4] =	stream.indirect_vreg.scatter [tilespmem:s22], [sflag:$0x4], $0x80, v6, vm0, $0xb8;
	[tilespmem:$0x10100] =	vst v63  }
0x62: {  	v5 =	vadd.s32 v2, v5  }
0x63: {  	[hbm4b:s14+s4] =	stream.indirect_vreg.scatter [tilespmem:s24], [sflag:$0x4], $0x80, v6, vm0, $0xb8;
	[tilespmem:$0x10100] =	vst v63  }
0x64: {  	s24 =	simm.s32 $0x5900  }
0x65: {  	[hbm4b:s15+s4] =	stream.indirect_vreg.scatter [tilespmem:s24], [sflag:$0x4], $0x80, v6, vm0, $0xb8;
	[tilespmem:$0x10100] =	vst v63  }
0x66: {  	v4 =	vsel vm1, $0x1800, v4  }
0x67: {  	v63 =	vshll.u32 v4, $0x3;
	[hbm4b:s5+s4] =	stream.indirect_vreg.scatter [tilespmem:s25], [sflag:$0x4], $0x80, v5, vm0, $0xb8;
	[tilespmem:$0x10100] =	vst v63  }
0x68: {  	v4 =	vand.u32 $0x7, v4;
	v6 =	vand.u32 $0xFFFFFFC0, v63;
	s25 =	simm.s32 $0x6900  }
0x69: {  	v4 =	vor.u32 v4, v6;
	[hbm4b:s13+s4] =	stream.indirect_vreg.scatter [tilespmem:s25], [sflag:$0x4], $0x80, v5, vm0, $0xb8;
	[tilespmem:$0x10100] =	vst v63  }
0x6a: {  	v6 =	vperm.xlane v4, v1  }
0x6b: {  	[hbm4b:s14+s4] =	stream.indirect_vreg.scatter [tilespmem:s26], [sflag:$0x4], $0x80, v5, vm0, $0xb8;
	[tilespmem:$0x10100] =	vst v63  }
0x6c: {  	v6 =	vadd.s32 v2, v6;
	s26 =	simm.s32 $0x7900  }
0x6d: {  	[hbm4b:s15+s4] =	stream.indirect_vreg.scatter [tilespmem:s26], [sflag:$0x4], $0x80, v5, vm0, $0xb8;
	[tilespmem:$0x10100] =	vst v63  }
0x6e: {  	_ =	swait.ge [sflag:s19], $0x4000  }
0x6f: {  	[sflag:s19] =	ssyncset.done $0x0  }
0x70: {  	[sflag:s19] =	ssyncadd.s32 $0xFFFFC000  }
0x71: {  	[hbm4b:s5+s4] =	stream.indirect_vreg.scatter [tilespmem:s28], [sflag:$0x8], $0x80, v6, vm0, $0xb8;
	[tilespmem:$0x10100] =	vst v63  }
0x72: {  	v4 =	vperm.xlane v4, v3;
	s28 =	simm.s32 $0xC900  }
0x73: {  	[hbm4b:s13+s4] =	stream.indirect_vreg.scatter [tilespmem:s28], [sflag:$0x8], $0x80, v6, vm0, $0xb8;
	[tilespmem:$0x10100] =	vst v63  }
0x74: {  	v4 =	vadd.s32 v2, v4  }
0x75: {  	[hbm4b:s14+s4] =	stream.indirect_vreg.scatter [tilespmem:s29], [sflag:$0x8], $0x80, v6, vm0, $0xb8;
	[tilespmem:$0x10100] =	vst v63  }
0x76: {  	_ = 	snop  }
0x77: {  	[hbm4b:s15+s4] =	stream.indirect_vreg.scatter [tilespmem:s30], [sflag:$0x8], $0x80, v6, vm0, $0xb8;
	[tilespmem:$0x10100] =	vst v63  }
0x78: {  	s21 =	sadd.s32 $0x20, s21  }
0x79: {  	[hbm4b:s5+s4] =	stream.indirect_vreg.scatter [tilespmem:s31], [sflag:$0x8], $0x80, v4, vm0, $0xb8;
	[tilespmem:$0x10100] =	vst v63  }
0x7a: {  	p0 =	sne.s32 s21, $0xC0  }
0x7b: {  	[hbm4b:s13+s4] =	stream.indirect_vreg.scatter [tilespmem:s1], [sflag:$0x8], $0x80, v4, vm0, $0xb8;
	[tilespmem:$0x10100] =	vst v63  }
.Ltmp3:
0x7c: {  	_ = 	snop;
	(pc) =	sbr.rel @!p0 .LBB2_5-.Ltmp3, $4  }
0x7d: {  	_ = 	snop  }
0x7e: {  	[hbm4b:s14+s4] =	stream.indirect_vreg.scatter [tilespmem:s0], [sflag:$0x8], $0x80, v4, vm0, $0xb8;
	[tilespmem:$0x10100] =	vst v63  }
0x7f: {  	s20 =	sadd.s32 $0x20, s20  }
0x80: {  	[hbm4b:s15+s4] =	stream.indirect_vreg.scatter [tilespmem:s6], [sflag:$0x8], $0x80, v4, vm0, $0xb8;
	[tilespmem:$0x10100] =	vst v63  }
.LBB2_2:
0x81: {  	p0 =	seq.s32 s21, $0x0  }
0x82: {  	s22 =	simm.s32 @!p0 $0x4  }
0x83: {  	_ =	swait.ge @!p0 [sflag:s22], $0x4000  }
0x84: {  	[sflag:s22] =	ssyncset.done @!p0 $0x0  }
0x85: {  	[sflag:s22] =	ssyncadd.s32 @!p0 $0xFFFFC000;
	s22 =	simm.s32 @!p0 $0x8  }
0x86: {  	_ =	swait.ge @!p0 [sflag:s22], $0x4000  }
0x87: {  	[sflag:s22] =	ssyncset.done @!p0 $0x0  }
0x88: {  	[sflag:s22] =	ssyncadd.s32 @!p0 $0xFFFFC000  }
0x89: {  	v4 =	vld [tilespmem:s20+$0x0];
	_ =	sdelay $0x4  }
0x8a: {  	vm1 =	vlt.s32 v4, $0xC451  }
0x8b: {  	v5 =	vnsel vm1, $0x0, v4  }
0x8c: {  	v6 =	vshll.u32 v5, $0x3  }
0x8d: {  	v5 =	vand.u32 $0x7, v5;
	v6 =	vand.u32 $0xFFFFFFC0, v6  }
0x8e: {  	v5 =	vor.u32 v5, v6  }
0x8f: {  	v6 =	vperm.xlane v5, v1;
	_ =	sdelay $0x1  }
0x90: {  	v6 =	vadd.s32 v2, v6;
	_ =	sdelay $0x4  }
0x91: {  	[tilespmem:s23], [sflag:$0x2] =	stream.indirect_vreg.gather [hbm4b:s2+s4], $0x80, v6, vm0, $0xb8;
	[tilespmem:$0x10100] =	vst v63  }
0x92: {  	s24 =	simm.s32 $0x4900;
	v5 =	vperm.xlane v5, v3  }
0x93: {  	[tilespmem:s24], [sflag:$0x2] =	stream.indirect_vreg.gather [hbm4b:s7+s4], $0x80, v6, vm0, $0xb8;
	[tilespmem:$0x10100] =	vst v63  }
0x94: {  	v5 =	vadd.s32 v2, v5;
	s24 =	simm.s32 $0x5100  }
0x95: {  	v4 =	vsel vm1, $0xC451, v4;
	[tilespmem:s24], [sflag:$0x2] =	stream.indirect_vreg.gather [hbm4b:s8+s4], $0x80, v6, vm0, $0xb8;
	[tilespmem:$0x10100] =	vst v63  }
0x96: {  	s25 =	simm.s32 $0x5900;
	v4 =	vadd.s32 $0xFFFF3BAF, v4  }
0x97: {  	v61 =	vshll.u32 v4, $0x3;
	[tilespmem:s25], [sflag:$0x2] =	stream.indirect_vreg.gather [hbm4b:s9+s4], $0x80, v6, vm0, $0xb8;
	[tilespmem:$0x10100] =	vst v63  }
0x98: {  	v4 =	vand.u32 $0x7, v4;
	s25 =	simm.s32 $0x6100;
	v6 =	vand.u32 $0xFFFFFFC0, v61  }
0x99: {  	v4 =	vor.u32 v4, v6;
	[tilespmem:s25], [sflag:$0x2] =	stream.indirect_vreg.gather [hbm4b:s2+s4], $0x80, v5, vm0, $0xb8;
	[tilespmem:$0x10100] =	vst v63  }
0x9a: {  	s26 =	simm.s32 $0x6900;
	v6 =	vperm.xlane v4, v1  }
0x9b: {  	[tilespmem:s26], [sflag:$0x2] =	stream.indirect_vreg.gather [hbm4b:s7+s4], $0x80, v5, vm0, $0xb8;
	[tilespmem:$0x10100] =	vst v63  }
0x9c: {  	s26 =	simm.s32 $0x7100;
	v6 =	vadd.s32 v2, v6  }
0x9d: {  	[tilespmem:s26], [sflag:$0x2] =	stream.indirect_vreg.gather [hbm4b:s8+s4], $0x80, v5, vm0, $0xb8;
	[tilespmem:$0x10100] =	vst v63  }
0x9e: {  	s28 =	simm.s32 $0x7900  }
0x9f: {  	[tilespmem:s28], [sflag:$0x2] =	stream.indirect_vreg.gather [hbm4b:s9+s4], $0x80, v5, vm0, $0xb8;
	[tilespmem:$0x10100] =	vst v63  }
0xa0: {  	s28 =	simm.s32 $0xC100  }
0xa1: {  	[tilespmem:s28], [sflag:$0x6] =	stream.indirect_vreg.gather [hbm4b:s3+s4], $0x80, v6, vm0, $0xb8;
	[tilespmem:$0x10100] =	vst v63  }
0xa2: {  	s29 =	simm.s32 $0xC900;
	v4 =	vperm.xlane v4, v3  }
0xa3: {  	[tilespmem:s29], [sflag:$0x6] =	stream.indirect_vreg.gather [hbm4b:s12+s4], $0x80, v6, vm0, $0xb8;
	[tilespmem:$0x10100] =	vst v63  }
0xa4: {  	v4 =	vadd.s32 v2, v4;
	s29 =	simm.s32 $0xD100  }
0xa5: {  	[tilespmem:s29], [sflag:$0x6] =	stream.indirect_vreg.gather [hbm4b:s10+s4], $0x80, v6, vm0, $0xb8;
	[tilespmem:$0x10100] =	vst v63  }
0xa6: {  	_ = 	snop  }
0xa7: {  	[tilespmem:s30], [sflag:$0x6] =	stream.indirect_vreg.gather [hbm4b:s11+s4], $0x80, v6, vm0, $0xb8;
	[tilespmem:$0x10100] =	vst v63  }
0xa8: {  	_ = 	snop  }
0xa9: {  	[tilespmem:s31], [sflag:$0x6] =	stream.indirect_vreg.gather [hbm4b:s3+s4], $0x80, v4, vm0, $0xb8;
	[tilespmem:$0x10100] =	vst v63  }
0xaa: {  	_ = 	snop  }
0xab: {  	[tilespmem:s1], [sflag:$0x6] =	stream.indirect_vreg.gather [hbm4b:s12+s4], $0x80, v4, vm0, $0xb8;
	[tilespmem:$0x10100] =	vst v63  }
0xac: {  	_ = 	snop  }
0xad: {  	[tilespmem:s0], [sflag:$0x6] =	stream.indirect_vreg.gather [hbm4b:s10+s4], $0x80, v4, vm0, $0xb8;
	[tilespmem:$0x10100] =	vst v63  }
0xae: {  	_ = 	snop  }
0xaf: {  	[tilespmem:s6], [sflag:$0x6] =	stream.indirect_vreg.gather [hbm4b:s11+s4], $0x80, v4, vm0, $0xb8;
	[tilespmem:$0x10100] =	vst v63  }
0xb0: {  	v4 =	vld [tilespmem:s20+$0xFFFFFFF0];
	_ =	sdelay $0x2  }
0xb1: {  	s23 =	rddreg [dreg:$0x6]  }
0xb2: {  	s22 =	sadd.s32 s21, s23  }
0xb3: {  	vm1 =	vlt.s32 v4, $0xC451;
	v4 =	vor.u32 s22, v0  }
0xb4: {  	v5 =	vnsel vm1, $0x1800, v4  }
0xb5: {  	v62 =	vshll.u32 v5, $0x3  }
0xb6: {  	v5 =	vand.u32 $0x7, v5;
	v6 =	vand.u32 $0xFFFFFFC0, v62  }
0xb7: {  	v5 =	vor.u32 v5, v6  }
0xb8: {  	v6 =	vperm.xlane v5, v1;
	_ =	sdelay $0x1  }
0xb9: {  	v6 =	vadd.s32 v2, v6;
	_ =	sdelay $0x1  }
0xba: {  	_ =	swait.ge [sflag:s16], $0x4000  }
0xbb: {  	[sflag:s16] =	ssyncset.done $0x0  }
0xbc: {  	s23 =	simm.s32 $0x100;
	[sflag:s16] =	ssyncadd.s32 $0xFFFFC000  }
0xbd: {  	[hbm4b:s5+s4] =	stream.indirect_vreg.scatter [tilespmem:s23], [sflag:$0x3], $0x80, v6, vm0, $0xb8;
	[tilespmem:$0x10100] =	vst v63  }
0xbe: {  	v5 =	vperm.xlane v5, v3;
	s23 =	simm.s32 $0x900  }
0xbf: {  	[hbm4b:s13+s4] =	stream.indirect_vreg.scatter [tilespmem:s23], [sflag:$0x3], $0x80, v6, vm0, $0xb8;
	[tilespmem:$0x10100] =	vst v63  }
0xc0: {  	v5 =	vadd.s32 v2, v5;
	s23 =	simm.s32 $0x1100  }
0xc1: {  	[hbm4b:s14+s4] =	stream.indirect_vreg.scatter [tilespmem:s23], [sflag:$0x3], $0x80, v6, vm0, $0xb8;
	[tilespmem:$0x10100] =	vst v63  }
0xc2: {  	s23 =	simm.s32 $0x1900  }
0xc3: {  	[hbm4b:s15+s4] =	stream.indirect_vreg.scatter [tilespmem:s23], [sflag:$0x3], $0x80, v6, vm0, $0xb8;
	[tilespmem:$0x10100] =	vst v63  }
0xc4: {  	v4 =	vsel vm1, $0x1800, v4;
	s23 =	simm.s32 $0x2100  }
0xc5: {  	v63 =	vshll.u32 v4, $0x3;
	[hbm4b:s5+s4] =	stream.indirect_vreg.scatter [tilespmem:s23], [sflag:$0x3], $0x80, v5, vm0, $0xb8;
	[tilespmem:$0x10100] =	vst v63  }
0xc6: {  	v4 =	vand.u32 $0x7, v4;
	v6 =	vand.u32 $0xFFFFFFC0, v63;
	s23 =	simm.s32 $0x2900  }
0xc7: {  	v4 =	vor.u32 v4, v6;
	[hbm4b:s13+s4] =	stream.indirect_vreg.scatter [tilespmem:s23], [sflag:$0x3], $0x80, v5, vm0, $0xb8;
	[tilespmem:$0x10100] =	vst v63  }
0xc8: {  	v6 =	vperm.xlane v4, v1;
	s23 =	simm.s32 $0x3100  }
0xc9: {  	[hbm4b:s14+s4] =	stream.indirect_vreg.scatter [tilespmem:s23], [sflag:$0x3], $0x80, v5, vm0, $0xb8;
	[tilespmem:$0x10100] =	vst v63  }
0xca: {  	v6 =	vadd.s32 v2, v6;
	s23 =	simm.s32 $0x3900  }
0xcb: {  	[hbm4b:s15+s4] =	stream.indirect_vreg.scatter [tilespmem:s23], [sflag:$0x3], $0x80, v5, vm0, $0xb8;
	[tilespmem:$0x10100] =	vst v63  }
0xcc: {  	_ =	swait.ge [sflag:s17], $0x4000  }
0xcd: {  	[sflag:s17] =	ssyncset.done $0x0  }
0xce: {  	s23 =	simm.s32 $0x8100;
	[sflag:s17] =	ssyncadd.s32 $0xFFFFC000  }
0xcf: {  	[hbm4b:s5+s4] =	stream.indirect_vreg.scatter [tilespmem:s23], [sflag:$0x7], $0x80, v6, vm0, $0xb8;
	[tilespmem:$0x10100] =	vst v63  }
0xd0: {  	v4 =	vperm.xlane v4, v3;
	s23 =	simm.s32 $0x8900  }
0xd1: {  	[hbm4b:s13+s4] =	stream.indirect_vreg.scatter [tilespmem:s23], [sflag:$0x7], $0x80, v6, vm0, $0xb8;
	[tilespmem:$0x10100] =	vst v63  }
0xd2: {  	v4 =	vadd.s32 v2, v4;
	s23 =	simm.s32 $0x9100  }
0xd3: {  	[hbm4b:s14+s4] =	stream.indirect_vreg.scatter [tilespmem:s23], [sflag:$0x7], $0x80, v6, vm0, $0xb8;
	[tilespmem:$0x10100] =	vst v63  }
0xd4: {  	s23 =	simm.s32 $0x9900  }
0xd5: {  	[hbm4b:s15+s4] =	stream.indirect_vreg.scatter [tilespmem:s23], [sflag:$0x7], $0x80, v6, vm0, $0xb8;
	[tilespmem:$0x10100] =	vst v63  }
0xd6: {  	s23 =	simm.s32 $0xA100  }
0xd7: {  	[hbm4b:s5+s4] =	stream.indirect_vreg.scatter [tilespmem:s23], [sflag:$0x7], $0x80, v4, vm0, $0xb8;
	[tilespmem:$0x10100] =	vst v63  }
0xd8: {  	p0 =	seq.s32 s21, $0xA0;
	s23 =	simm.s32 $0xA900  }
0xd9: {  	[hbm4b:s13+s4] =	stream.indirect_vreg.scatter [tilespmem:s23], [sflag:$0x7], $0x80, v4, vm0, $0xb8;
	[tilespmem:$0x10100] =	vst v63  }
.Ltmp4:
0xda: {  	_ = 	snop;
	(pc) =	sbr.rel @p0 .LBB2_4-.Ltmp4, $4  }
0xdb: {  	s23 =	simm.s32 $0xB100  }
0xdc: {  	[hbm4b:s14+s4] =	stream.indirect_vreg.scatter [tilespmem:s23], [sflag:$0x7], $0x80, v4, vm0, $0xb8;
	[tilespmem:$0x10100] =	vst v63  }
0xdd: {  	s23 =	simm.s32 $0xB900  }
0xde: {  	[hbm4b:s15+s4] =	stream.indirect_vreg.scatter [tilespmem:s23], [sflag:$0x7], $0x80, v4, vm0, $0xb8;
	[tilespmem:$0x10100] =	vst v63  }
0xdf: {  	s23 =	simm.s32 $0x3  }
0xe0: {  	_ =	swait.ge [sflag:s23], $0x4000  }
0xe1: {  	[sflag:s23] =	ssyncset.done $0x0  }
0xe2: {  	[sflag:s23] =	ssyncadd.s32 $0xFFFFC000;
	s23 =	simm.s32 $0x7  }
0xe3: {  	_ =	swait.ge [sflag:s23], $0x4000  }
0xe4: {  	[sflag:s23] =	ssyncset.done $0x0  }
0xe5: {  	[sflag:s23] =	ssyncadd.s32 $0xFFFFC000  }
0xe6: {  	v4 =	vld [tilespmem:s20+$0x10];
	_ =	sdelay $0x4  }
0xe7: {  	vm1 =	vlt.s32 v4, $0xC451  }
0xe8: {  	v5 =	vnsel vm1, $0x0, v4  }
0xe9: {  	v6 =	vshll.u32 v5, $0x3  }
0xea: {  	v5 =	vand.u32 $0x7, v5;
	v6 =	vand.u32 $0xFFFFFFC0, v6  }
0xeb: {  	v5 =	vor.u32 v5, v6  }
0xec: {  	v6 =	vperm.xlane v5, v1;
	_ =	sdelay $0x1  }
0xed: {  	v6 =	vadd.s32 v2, v6;
	_ =	sdelay $0x3  }
0xee: {  	s23 =	simm.s32 $0x100  }
0xef: {  	[tilespmem:s23], [sflag:$0x1] =	stream.indirect_vreg.gather [hbm4b:s2+s4], $0x80, v6, vm0, $0xb8;
	[tilespmem:$0x10100] =	vst v63  }
0xf0: {  	v5 =	vperm.xlane v5, v3;
	s23 =	simm.s32 $0x900  }
0xf1: {  	[tilespmem:s23], [sflag:$0x1] =	stream.indirect_vreg.gather [hbm4b:s7+s4], $0x80, v6, vm0, $0xb8;
	[tilespmem:$0x10100] =	vst v63  }
0xf2: {  	v5 =	vadd.s32 v2, v5;
	s23 =	simm.s32 $0x1100  }
0xf3: {  	v4 =	vsel vm1, $0xC451, v4;
	[tilespmem:s23], [sflag:$0x1] =	stream.indirect_vreg.gather [hbm4b:s8+s4], $0x80, v6, vm0, $0xb8;
	[tilespmem:$0x10100] =	vst v63  }
0xf4: {  	v4 =	vadd.s32 $0xFFFF3BAF, v4;
	s23 =	simm.s32 $0x1900  }
0xf5: {  	v63 =	vshll.u32 v4, $0x3;
	[tilespmem:s23], [sflag:$0x1] =	stream.indirect_vreg.gather [hbm4b:s9+s4], $0x80, v6, vm0, $0xb8;
	[tilespmem:$0x10100] =	vst v63  }
0xf6: {  	v4 =	vand.u32 $0x7, v4;
	v6 =	vand.u32 $0xFFFFFFC0, v63;
	s23 =	simm.s32 $0x2100  }
0xf7: {  	v4 =	vor.u32 v4, v6;
	[tilespmem:s23], [sflag:$0x1] =	stream.indirect_vreg.gather [hbm4b:s2+s4], $0x80, v5, vm0, $0xb8;
	[tilespmem:$0x10100] =	vst v63  }
0xf8: {  	v6 =	vperm.xlane v4, v1;
	s23 =	simm.s32 $0x2900  }
0xf9: {  	[tilespmem:s23], [sflag:$0x1] =	stream.indirect_vreg.gather [hbm4b:s7+s4], $0x80, v5, vm0, $0xb8;
	[tilespmem:$0x10100] =	vst v63  }
0xfa: {  	v6 =	vadd.s32 v2, v6;
	s23 =	simm.s32 $0x3100  }
0xfb: {  	[tilespmem:s23], [sflag:$0x1] =	stream.indirect_vreg.gather [hbm4b:s8+s4], $0x80, v5, vm0, $0xb8;
	[tilespmem:$0x10100] =	vst v63  }
0xfc: {  	s23 =	simm.s32 $0x3900  }
0xfd: {  	[tilespmem:s23], [sflag:$0x1] =	stream.indirect_vreg.gather [hbm4b:s9+s4], $0x80, v5, vm0, $0xb8;
	[tilespmem:$0x10100] =	vst v63  }
0xfe: {  	s23 =	simm.s32 $0x8100  }
0xff: {  	[tilespmem:s23], [sflag:$0x5] =	stream.indirect_vreg.gather [hbm4b:s3+s4], $0x80, v6, vm0, $0xb8;
	[tilespmem:$0x10100] =	vst v63  }
0x100: {  	v4 =	vperm.xlane v4, v3;
	s23 =	simm.s32 $0x8900  }
0x101: {  	[tilespmem:s23], [sflag:$0x5] =	stream.indirect_vreg.gather [hbm4b:s12+s4], $0x80, v6, vm0, $0xb8;
	[tilespmem:$0x10100] =	vst v63  }
0x102: {  	v4 =	vadd.s32 v2, v4;
	s23 =	simm.s32 $0x9100  }
0x103: {  	[tilespmem:s23], [sflag:$0x5] =	stream.indirect_vreg.gather [hbm4b:s10+s4], $0x80, v6, vm0, $0xb8;
	[tilespmem:$0x10100] =	vst v63  }
0x104: {  	s23 =	simm.s32 $0x9900  }
0x105: {  	[tilespmem:s23], [sflag:$0x5] =	stream.indirect_vreg.gather [hbm4b:s11+s4], $0x80, v6, vm0, $0xb8;
	[tilespmem:$0x10100] =	vst v63  }
0x106: {  	s23 =	simm.s32 $0xA100  }
0x107: {  	[tilespmem:s23], [sflag:$0x5] =	stream.indirect_vreg.gather [hbm4b:s3+s4], $0x80, v4, vm0, $0xb8;
	[tilespmem:$0x10100] =	vst v63  }
0x108: {  	s23 =	simm.s32 $0xA900  }
0x109: {  	[tilespmem:s23], [sflag:$0x5] =	stream.indirect_vreg.gather [hbm4b:s12+s4], $0x80, v4, vm0, $0xb8;
	[tilespmem:$0x10100] =	vst v63  }
.Ltmp5:
0x10a: {  	_ = 	snop;
	(pc) =	sbr.rel .LBB2_4-.Ltmp5, $4  }
0x10b: {  	s23 =	simm.s32 $0xB100  }
0x10c: {  	[tilespmem:s23], [sflag:$0x5] =	stream.indirect_vreg.gather [hbm4b:s10+s4], $0x80, v4, vm0, $0xb8;
	[tilespmem:$0x10100] =	vst v63  }
0x10d: {  	s23 =	simm.s32 $0xB900  }
0x10e: {  	[tilespmem:s23], [sflag:$0x5] =	stream.indirect_vreg.gather [hbm4b:s11+s4], $0x80, v4, vm0, $0xb8;
	[tilespmem:$0x10100] =	vst v63  }
.LBB2_6:
0x10f: {  	_ =	sfence.sel $0x180000  }
0x110: {  	[bflag:$0x0] =	sbarrier.arrive $0xFFFF  }
0x111: {  	_ =	strace $0x9000004D  }
0x112: {  	s0 =	stileid.u32;
	[bflag:$0x2] =	sbarrier.arrive $0xFFFF  }
0x113: {  	p0 =	sne.s32 s0, $0x0;
	s0 =	rddreg [dreg:$0x3]  }
0x114: {  	s0 =	sadd.s32 @!p0 $0x100000, s0  }
0x115: {  	[sflag:s0] =	ssyncadd.tile.s32 @!p0 $0x1;
	_ =	shalt  }
.Lfunc_end2:
_tile_overlayer_lowered:
.L_overlay_start_2:
0x116: {  	(tag) =	ssettag $0x2  }
0x117: {  	s0 =	rddreg [dreg:$0x0];
	s2 =	stileid.u32  }
0x118: {  	s1 =	rddreg [dreg:$0x1];
	p0 =	sne.s32 s2, $0x0  }
0x119: {  	s3 =	rddreg [dreg:$0x2];
	[bflag:$0x3] =	sbarrier.arrive $0xFFFF;
	s2 =	simm.s32 @!p0 $0x1C09  }
0x11a: {  	[timem:s3], [sflag:s2] =	dma.local @!p0 [hbm:s0], s1  }
0x11b: {  	s0 =	simm.s32 @!p0 $0x9  }
0x11c: {  	_ =	swait.ge @!p0 [sflag:s0], s1  }
0x11d: {  	s1 =	ssub.s32 @!p0 $0x0, s1;
	[sflag:s0] =	ssyncset.done @!p0 $0x0  }
0x11e: {  	[sflag:s0] =	ssyncadd.s32 @!p0 s1  }
0x11f: {  	[bflag:$0x3] =	sbarrier.arrive $0xFFFF  }
0x120: {  	_ =	shalt  }

// kernel: sparse-core-data-format-call.1.cloned.1.call-start
scs
called_computation.1_lowered:
.L_overlay_start_0:
0x0: {  	s2 =	sld [smem:$0x3FD9]  }
0x1: {  	s3 =	sld [smem:$0x3FFE];
	_ =	sdelay $0x1  }
0x2: {  	s1 =	srdreg.scid  }
0x3: {  	s0 =	sand.u32 $0x1, s1  }
0x4: {  	s18 =	sshll.u32 s0, $0xA;
	s2 =	sadd.s32 s3, s2  }
0x5: {  	s2 =	sadd.s32 s2, s18  }
0x6: {  	[smem:$0x3FC3] =	sst s2  }
0x7: {  	_ = 	snop  }
0x8: {  	s2 =	sld [smem:$0x3FC8];
	(tm) =	ssettm $0x1  }
0x9: {  	s19 =	sld [smem:$0x3FFB];
	_ =	sdelay $0x3  }
0xa: {  	_ =	strace s19  }
0xb: {  	s3 =	sld [smem:$0x3FFC];
	_ =	sdelay $0x3  }
0xc: {  	_ =	strace s3  }
0xd: {  	s3 =	sld [smem:$0x3FFD];
	_ =	sdelay $0x3  }
0xe: {  	_ =	strace s3  }
0xf: {  	_ =	strace $0x8FFFFFFF  }
0x10: {  	s20 =	sld [smem:$0x3FDB];
	_ =	sdelay $0x1  }
0x11: {  	s4 =	simm.s32 $_scs_section_size  }
0x12: {  	s5 =	simm.s32 $_size__tile_overlayer_lowered;
	s6 =	simm.s32 $_tile_overlayer_lowered  }
0x13: {  	s23 =	simm.s32 $0x1BFF;
	s22 =	sshll.u32 s6, $0x1;
	s3 =	sadd.s32 s4, s20  }
0x14: {  	s7 =	simm.s32 $0x0;
	s21 =	sshll.u32 s5, $0x1;
	s5 =	sadd.s32 s22, s3  }
0x15: {  	[timem:s7], [sflag:s23] =	dma.local [hbm:s5], s21  }
0x16: {  	_ =	swait.ge [sflag:s23], s21  }
0x17: {  	s4 =	ssub.s32 $0x0, s21;
	[sflag:s23] =	ssyncset.done $0x0  }
0x18: {  	[sflag:s23] =	ssyncadd.s32 s4;
	_ =	sdelay $0x1  }
0x19: {  	s24 =	simm.s32 $0x1B8B  }
0x1a: {  	_ =	swait.ge [sflag:s24], $0x1  }
0x1b: {  	[sflag:s24] =	ssyncset.done $0x0  }
0x1c: {  	s26 =	simm.s32 $0x1B8E;
	s25 =	sld [smem:$0x3FFE];
	[sflag:s24] =	ssyncadd.s32 $0xFFFFFFFF  }
0x1d: {  	s27 =	simm.s32 $execute0_lowered;
	[smem:$0x3FD2] =	sst s26  }
0x1e: {  	s5 =	sshll.u32 s27, $0x1;
	_ =	strace $0x80000046;
	[dreg:$0x1] =	wrdreg $0xFFFFFFFF  }
0x1f: {  	s28 =	simm.s32 $_size_execute0_lowered;
	s3 =	sadd.s32 s3, s5;
	[dreg:$0x0] =	wrdreg $0x0  }
0x20: {  	s5 =	sshll.u32 s28, $0x1;
	[dreg:$0x2] =	wrdreg s3  }
0x21: {  	[dreg:$0x3] =	wrdreg s5  }
0x22: {  	[dreg:$0x4] =	wrdreg $0xC0  }
0x23: {  	_ =	task [dreg:s7], $0x5FFFF  }
0x24: {  	[dreg:$0x1] =	wrdreg $0xFFFFFFFF  }
0x25: {  	[dreg:$0x0] =	wrdreg $0x60  }
0x26: {  	[dreg:$0x2] =	wrdreg s2  }
0x27: {  	[dreg:$0x3] =	wrdreg s25  }
0x28: {  	[dreg:$0x4] =	wrdreg $0xA  }
0x29: {  	_ =	task.clear_ibuf [dreg:s7], $0x5FFFF;
	_ =	strace $0x90000046  }
0x2a: {  	s29 =	simm.s32 $0xA;
	_ =	strace $0x80000048  }
0x2b: {  	_ =	swait.ge [sflag:s29], $0x1  }
0x2c: {  	[sflag:s29] =	ssyncadd.s32 $0xFFFFFFFF  }
0x2d: {  	_ =	strace $0x90000048  }
0x2e: {  	_ =	sfence  }
0x2f: {  	s30 =	sld [smem:$0x0];
	_ =	sdelay $0x2  }
0x30: {  	s31 =	sshll.u32 s1, $0xD;
	s1 =	sshrl.u32 s1, $0x2  }
0x31: {  	s3 =	sand.u32 $0x4000, s31;
	s1 =	sadd.s32 s1, s30  }
0x32: {  	s0 =	sor.u32 s3, s0;
	s1 =	sshll.u32 s1, $0x11  }
0x33: {  	s0 =	sor.u32 s1, s0  }
0x34: {  	s0 =	sadd.s32 $0x8F2B, s0  }
0x35: {  	[sflag:s0] =	ssyncadd.remote.s32 $0x1  }
0x36: {  	_ =	sfence.sel $0xFFFF  }
0x37: {  	[dreg:$0x0] =	wrdreg $0xFFFFFFFF;
	(pc) =	sbr.abs _section_cstart, $3  }
0x38: {  	[dreg:$0x1] =	wrdreg $0xFFFFFFFF  }
0x39: {  	_ =	task.clear_ibuf [dreg:s7], $0x2FFFF;
	_ =	strace $0x9FFFFFFF  }
0x3a: {  	(tm) =	ssettm $0x7FFFFFFF  }
0x3b: {  	_ =	shalt  }
tec
execute0_lowered:
.L_overlay_start_1:
0x0: {  	(tag) =	ssettag $0x1  }
0x1: {  	s0 =	srdreg.scid;
	s2 =	rddreg [dreg:$0x0]  }
0x2: {  	s5 =	rddreg [dreg:$0x1];
	s1 =	stileid.u32  }
0x3: {  	s4 =	simm.s32 $0x1;
	s6 =	simm.s32 $0x2;
	s0 =	sshll.u32 s0, $0x4  }
0x4: {  	s8 =	simm.s32 $0x0;
	s9 =	simm.s32 $0x0;
	s3 =	sand.u32 $0x10, s0  }
.Ltmp0:
0x5: {  	s13 =	simm.s32 $0x0;
	s3 =	sor.u32 s1, s3;
	(pc) =	sbr.rel .LBB1_1-.Ltmp0, $4  }
0x6: {  	s0 =	rddreg [dreg:$0x2];
	_ =	strace $0x80000047;
	s3 =	sshll.u32 s3, $0x1  }
0x7: {  	s10 =	simm.s32 $0x0;
	[sflag:s4] =	ssyncpa.u1 $0x0;
	s7 =	ssub.s32 $0x188A, s3  }
0x8: {  	s12 =	simm.s32 $0x0;
	[sflag:s6] =	ssyncpa.u1 $0x0;
	s6 =	sshrl.u32 s7, $0x6  }
0x9: {  	s5 =	sadd.s32 $0x1400, s5;
	s11 =	smov.u32 s3;
	s7 =	sadd.s32 $0x2, s6  }
.LBB1_9:
0xa: {  	s15 =	sshll.u32 s12, $0xE  }
0xb: {  	s16 =	sshll.u32 s10, $0xA;
	s15 =	sand.u32 $0x4000, s15  }
0xc: {  	s16 =	sadd.s32 s5, s16;
	s15 =	sor.u32 $0x8000, s15  }
0xd: {  	[hbm4b:s16+s8] =	stream.linear.scatter [tilespmem:s15], [sflag:$0x2], s14, $0x38;
	[tilespmem:$0x10000] =	vst v63  }
.LBB1_10:
0xe: {  	p0 =	slt.u32 s12, $0x2  }
0xf: {  	p1 =	sgt.s32 @!p0 s13, $0x1889  }
0x10: {  	s14 =	smov.u32 s13;
	s15 =	sshra.s32 @!p0 s13, $0x1F;
	p1 =	por !p1, p0  }
0x11: {  	s13 =	sand.u32 @!p0 s15, s13;
	s14 =	simm.s32 @p1 $0x1889  }
0x12: {  	s13 =	ssub.s32 @!p0 s14, s13  }
0x13: {  	s13 =	sadd.s32 @!p0 $0xFFFFE777, s13  }
0x14: {  	s14 =	sshll.u32 @!p0 s13, $0xF  }
0x15: {  	p1 =	sgt.s32 @!p0 s13, $0x1;
	s13 =	ssub.s32 @!p0 $0x10000, s14  }
0x16: {  	s15 =	sadd.s32 $0x40, s11;
	p1 =	por !p1, p0;
	s13 =	sshrl.u32 @!p0 s13, $0x2  }
0x17: {  	s13 =	simm.s32 @!p1 $0x0;
	p1 =	sgt.s32 s15, $0x188A  }
0x18: {  	s15 =	smov.u32 @p1 s3;
	p1 =	sne.s32 s12, s7  }
.Ltmp1:
0x19: {  	_ = 	snop;
	(pc) =	sbr.rel @!p1 .LBB1_11-.Ltmp1, $4  }
0x1a: {  	s14 =	simm.s32 @!p0 $0x2  }
0x1b: {  	s9 =	sadd.s32 $0x4000, s9;
	_ =	swait.ge @!p0 [sflag:s14], s13;
	s16 =	ssub.s32 @!p0 $0x0, s13  }
0x1c: {  	s13 =	smov.u32 s10;
	s12 =	sadd.s32 $0x1, s12;
	[sflag:s14] =	ssyncset.done @!p0 $0x0  }
0x1d: {  	s10 =	smov.u32 s11;
	s11 =	smov.u32 s15;
	[sflag:s14] =	ssyncadd.s32 @!p0 s16  }
.LBB1_1:
0x1e: {  	p0 =	sgt.u32 s12, s6  }
0x1f: {  	p1 =	sgt.s32 @!p0 s11, $0x1889  }
0x20: {  	s14 =	smov.u32 s11;
	s15 =	sshra.s32 @!p0 s11, $0x1F;
	p1 =	por !p1, p0  }
0x21: {  	s15 =	sand.u32 @!p0 s15, s11;
	s14 =	simm.s32 @p1 $0x1889  }
0x22: {  	s14 =	ssub.s32 @!p0 s14, s15  }
0x23: {  	s14 =	sadd.s32 @!p0 $0xFFFFE777, s14  }
0x24: {  	s17 =	simm.s32 @!p0 $0x0;
	s15 =	sxor.u32 @!p0 $0xFFFFFFFF, s12;
	s16 =	sshll.u32 @!p0 s14, $0xF  }
0x25: {  	s15 =	sshll.u32 @!p0 s15, $0xE;
	p1 =	sgt.s32 @!p0 s14, $0x1;
	s14 =	ssub.s32 @!p0 $0x10000, s16  }
0x26: {  	p1 =	por !p1, p0;
	s16 =	sshll.u32 @!p0 s11, $0xA;
	s14 =	sshrl.u32 @!p0 s14, $0x2  }
0x27: {  	s15 =	sand.u32 @!p0 $0x4000, s15;
	s16 =	sadd.s32 @!p0 s2, s16;
	s14 =	simm.s32 @!p1 $0x0  }
0x28: {  	[tilespmem:s15], [sflag:$0x1] =	stream.linear.gather @!p0 [hbm4b:s16+s17], s14, $0x38;
	[tilespmem:$0x10000] =	vst v63  }
0x29: {  	p0 =	seq.s32 s12, $0x0  }
0x2a: {  	p1 =	sge.u32 @!p0 s12, s7  }
0x2b: {  	p0 =	por p0, p1  }
.Ltmp2:
0x2c: {  	_ = 	snop;
	(pc) =	sbr.rel @p0 .LBB1_10-.Ltmp2, $1  }
0x2d: {  	_ =	sdelay $0x3  }
0x2e: {  	p0 =	sgt.s32 s10, $0x1889;
	s14 =	smov.u32 s10;
	s15 =	sshra.s32 s10, $0x1F  }
0x2f: {  	s14 =	simm.s32 @!p0 $0x1889;
	s15 =	sand.u32 s15, s10  }
0x30: {  	s14 =	ssub.s32 s14, s15  }
0x31: {  	s16 =	sadd.s32 $0x2, s10;
	s14 =	sadd.s32 $0xFFFFE777, s14  }
0x32: {  	p1 =	slt.s32 s16, $0x188B;
	s30 =	sshll.u32 s14, $0xF  }
0x33: {  	s16 =	simm.s32 @!p1 $0x188B;
	s15 =	ssub.s32 $0x10000, s30  }
0x34: {  	p0 =	sgt.s32 s14, $0x1;
	s14 =	sshrl.u32 s15, $0x2;
	s15 =	ssub.s32 s16, s10  }
0x35: {  	s14 =	simm.s32 @p0 $0x0;
	p0 =	slt.s32 s15, $0x1  }
.Ltmp3:
0x36: {  	_ = 	snop;
	(pc) =	sbr.rel @p0 .LBB1_9-.Ltmp3, $4  }
0x37: {  	_ = 	snop  }
0x38: {  	_ =	swait.ge [sflag:s4], s14  }
0x39: {  	s31 =	ssub.s32 $0x0, s14;
	[sflag:s4] =	ssyncset.done $0x0  }
0x3a: {  	[sflag:s4] =	ssyncadd.s32 s31  }
0x3b: {  	s17 =	sand.u32 $0x4000, s9  }
0x3c: {  	s18 =	simm.s32 $0x0;
	s16 =	sor.u32 $0x8040, s17;
	s17 =	sor.u32 $0x40, s17  }
.LBB1_4:
0x3d: {  	s19 =	smov.u32 s17;
	s20 =	smov.u32 s16;
	s21 =	simm.s32 $0x0  }
.LBB1_5:
0x3e: {  	v0 =	vmov s19;
	_ =	sdelay $0x3  }
0x3f: {  	s23 =	simm.s32 $0x0  }
0x40: {  	v6 =	vld.idx.msk [tilespmem:v0+s23+$0x30 ss:$0x1], $0xffff  }
0x41: {  	v7 =	vld.idx.msk [tilespmem:v0+s23+$0xFFFFFFC0 ss:$0x1], $0xffff  }
0x42: {  	v5 =	vld.idx.msk [tilespmem:v0+s23+$0xFFFFFFD0 ss:$0x1], $0xffff  }
0x43: {  	v4 =	vld.idx.msk [tilespmem:v0+s23+$0xFFFFFFE0 ss:$0x1], $0xffff  }
0x44: {  	v3 =	vld.idx.msk [tilespmem:v0+s23+$0xFFFFFFF0 ss:$0x1], $0xffff  }
0x45: {  	v1 =	vld.idx.msk [tilespmem:v0+s23+$0x0 ss:$0x1], $0xffff  }
0x46: {  	v2 =	vld.idx.msk [tilespmem:v0+s23+$0x10 ss:$0x1], $0xffff;
	[tilespmem:s20+$0x30] =	vst v6  }
0x47: {  	s22 =	simm.s32 $0x80;
	s24 =	simm.s32 $0x400;
	[tilespmem:s20+$0xFFFFFFC0] =	vst v7;
	v6 =	vld.idx.msk [tilespmem:v0+s23+$0x20 ss:$0x1], $0xffff;
	s23 =	smov.u32 s20  }
.LBB1_6:
0x48: {  	p0 =	sne.s32 s24, $0xE00;
	v7 =	vld.idx.msk [tilespmem:v0+s22+$0x30 ss:$0x1], $0xffff;
	[tilespmem:s23+$0xFFFFFFD0] =	vst v5  }
0x49: {  	v8 =	vld.idx.msk [tilespmem:v0+s22+$0xFFFFFFC0 ss:$0x1], $0xffff;
	[tilespmem:s23+$0xFFFFFFE0] =	vst v4  }
0x4a: {  	v5 =	vld.idx.msk [tilespmem:v0+s22+$0xFFFFFFD0 ss:$0x1], $0xffff;
	[tilespmem:s23+$0xFFFFFFF0] =	vst v3  }
.Ltmp4:
0x4b: {  	v4 =	vld.idx.msk [tilespmem:v0+s22+$0xFFFFFFE0 ss:$0x1], $0xffff;
	[tilespmem:s23+$0x0] =	vst v1;
	(pc) =	sbr.rel @p0 .LBB1_6-.Ltmp4, $4  }
0x4c: {  	v3 =	vld.idx.msk [tilespmem:v0+s22+$0xFFFFFFF0 ss:$0x1], $0xffff;
	[tilespmem:s23+$0x10] =	vst v2  }
0x4d: {  	v1 =	vld.idx.msk [tilespmem:v0+s22+$0x0 ss:$0x1], $0xffff;
	[tilespmem:s23+$0x20] =	vst v6;
	s23 =	sadd.s32 $0x400, s23  }
0x4e: {  	v2 =	vld.idx.msk [tilespmem:v0+s22+$0x10 ss:$0x1], $0xffff;
	[tilespmem:s23+$0x30] =	vst v7  }
0x4f: {  	[tilespmem:s23+$0xFFFFFFC0] =	vst v8;
	v6 =	vld.idx.msk [tilespmem:v0+s22+$0x20 ss:$0x1], $0xffff;
	s22 =	sshra.s32 s24, $0x2;
	s24 =	sadd.s32 $0x200, s24  }
0x50: {  	_ =	sdelay $0x2  }
0x51: {  	[tilespmem:s23+$0xFFFFFFD0] =	vst v5  }
0x52: {  	v56 =	vld.idx.msk [tilespmem:v0+s22+$0x30 ss:$0x1], $0xffff;
	[tilespmem:s23+$0xFFFFFFE0] =	vst v4  }
0x53: {  	v57 =	vld.idx.msk [tilespmem:v0+s22+$0xFFFFFFC0 ss:$0x1], $0xffff;
	[tilespmem:s23+$0xFFFFFFF0] =	vst v3  }
0x54: {  	v58 =	vld.idx.msk [tilespmem:v0+s22+$0xFFFFFFD0 ss:$0x1], $0xffff;
	[tilespmem:s23+$0x0] =	vst v1  }
0x55: {  	v59 =	vld.idx.msk [tilespmem:v0+s22+$0xFFFFFFE0 ss:$0x1], $0xffff;
	[tilespmem:s23+$0x10] =	vst v2  }
0x56: {  	v60 =	vld.idx.msk [tilespmem:v0+s22+$0xFFFFFFF0 ss:$0x1], $0xffff;
	s31 =	sadd.s32 $0x400, s23;
	[tilespmem:s23+$0x20] =	vst v6  }
0x57: {  	v61 =	vld.idx.msk [tilespmem:v0+s22+$0x0 ss:$0x1], $0xffff;
	[tilespmem:s31+$0x30] =	vst v56  }
0x58: {  	v62 =	vld.idx.msk [tilespmem:v0+s22+$0x10 ss:$0x1], $0xffff;
	s21 =	sadd.s32 $0x1, s21;
	[tilespmem:s31+$0xFFFFFFC0] =	vst v57  }
0x59: {  	v63 =	vld.idx.msk [tilespmem:v0+s22+$0x20 ss:$0x1], $0xffff;
	p0 =	sne.s32 s21, $0x8;
	[tilespmem:s31+$0xFFFFFFD0] =	vst v58  }
.Ltmp5:
0x5a: {  	[tilespmem:s31+$0xFFFFFFE0] =	vst v59;
	(pc) =	sbr.rel @p0 .LBB1_5-.Ltmp5, $4  }
0x5b: {  	[tilespmem:s31+$0xFFFFFFF0] =	vst v60  }
0x5c: {  	[tilespmem:s31+$0x0] =	vst v61  }
0x5d: {  	[tilespmem:s31+$0x10] =	vst v62  }
0x5e: {  	s20 =	sadd.s32 $0x80, s20;
	s19 =	sadd.s32 $0x400, s19;
	[tilespmem:s31+$0x20] =	vst v63  }
0x5f: {  	s18 =	sadd.s32 $0x1, s18  }
0x60: {  	p0 =	sne.s32 s18, s15  }
.Ltmp6:
0x61: {  	_ = 	snop;
	(pc) =	sbr.rel @p0 .LBB1_4-.Ltmp6, $4  }
.Ltmp7:
0x62: {  	_ = 	snop;
	(pc) =	sbr.rel @!p0 .LBB1_9-.Ltmp7, $4  }
0x63: {  	_ = 	snop  }
0x64: {  	_ = 	snop  }
0x65: {  	s16 =	sadd.s32 $0x2000, s16;
	s17 =	sadd.s32 $0x2000, s17  }
0x66: {  	_ = 	snop  }
.LBB1_11:
0x67: {  	_ =	sfence.sel $0x180000  }
0x68: {  	s2 =	simm.s32 $0x1;
	[bflag:$0x0] =	sbarrier.arrive $0xFFFF  }
0x69: {  	s31 =	simm.s32 $0x2;
	[sflag:s2] =	ssyncpa.u1 $0x1  }
0x6a: {  	[sflag:s31] =	ssyncpa.u1 $0x1  }
0x6b: {  	p0 =	sne.s32 s1, $0x0;
	_ =	strace $0x90000047  }
0x6c: {  	s0 =	sadd.s32 @!p0 $0x100000, s0;
	[bflag:$0x2] =	sbarrier.arrive $0xFFFF  }
0x6d: {  	[sflag:s0] =	ssyncadd.tile.s32 @!p0 $0x1;
	_ =	shalt  }
.Lfunc_end1:
_tile_overlayer_lowered:
.L_overlay_start_2:
0x6e: {  	(tag) =	ssettag $0x2  }
0x6f: {  	s0 =	rddreg [dreg:$0x0];
	s2 =	stileid.u32  }
0x70: {  	s1 =	rddreg [dreg:$0x1];
	p0 =	sne.s32 s2, $0x0  }
0x71: {  	s3 =	rddreg [dreg:$0x2];
	[bflag:$0x3] =	sbarrier.arrive $0xFFFF;
	s2 =	simm.s32 @!p0 $0x1C01  }
0x72: {  	[timem:s3], [sflag:s2] =	dma.local @!p0 [hbm:s0], s1  }
0x73: {  	s0 =	simm.s32 @!p0 $0x1  }
0x74: {  	_ =	swait.ge @!p0 [sflag:s0], s1  }
0x75: {  	s1 =	ssub.s32 @!p0 $0x0, s1;
	[sflag:s0] =	ssyncset.done @!p0 $0x0  }
0x76: {  	[sflag:s0] =	ssyncadd.s32 @!p0 s1  }
0x77: {  	[bflag:$0x3] =	sbarrier.arrive $0xFFFF  }
0x78: {  	_ =	shalt  }

// kernel: sparse-core-data-format-call.cloned.1.call-start
scs
called_computation_lowered:
.L_overlay_start_0:
0x0: {  	s2 =	sld [smem:$0x3FD9]  }
0x1: {  	s3 =	sld [smem:$0x3FFE];
	_ =	sdelay $0x1  }
0x2: {  	s1 =	srdreg.scid  }
0x3: {  	s0 =	sand.u32 $0x1, s1  }
0x4: {  	s18 =	sshll.u32 s0, $0xA;
	s2 =	sadd.s32 s3, s2  }
0x5: {  	s2 =	sadd.s32 s2, s18  }
0x6: {  	[smem:$0x3FC3] =	sst s2  }
0x7: {  	_ = 	snop  }
0x8: {  	s19 =	sld [smem:$0x3FD0];
	(tm) =	ssettm $0x1  }
0x9: {  	s20 =	sld [smem:$0x3FFB];
	_ =	sdelay $0x3  }
0xa: {  	_ =	strace s20  }
0xb: {  	s2 =	sld [smem:$0x3FFC];
	_ =	sdelay $0x3  }
0xc: {  	_ =	strace s2  }
0xd: {  	s2 =	sld [smem:$0x3FFD];
	_ =	sdelay $0x3  }
0xe: {  	_ =	strace s2  }
0xf: {  	_ =	strace $0x8FFFFFFF  }
0x10: {  	s21 =	sld [smem:$0x3FDB];
	_ =	sdelay $0x1  }
0x11: {  	s4 =	simm.s32 $_scs_section_size  }
0x12: {  	s5 =	simm.s32 $_size__tile_overlayer_lowered;
	s6 =	simm.s32 $_tile_overlayer_lowered  }
0x13: {  	s7 =	simm.s32 $0x1BFF;
	s22 =	sshll.u32 s6, $0x1;
	s4 =	sadd.s32 s4, s21  }
0x14: {  	s23 =	simm.s32 $0x0;
	s5 =	sshll.u32 s5, $0x1;
	s6 =	sadd.s32 s22, s4  }
0x15: {  	[timem:s23], [sflag:s7] =	dma.local [hbm:s6], s5  }
0x16: {  	_ =	swait.ge [sflag:s7], s5  }
0x17: {  	s5 =	ssub.s32 $0x0, s5;
	[sflag:s7] =	ssyncset.done $0x0  }
0x18: {  	[sflag:s7] =	ssyncadd.s32 s5;
	_ =	sdelay $0x1  }
0x19: {  	s24 =	simm.s32 $0x1B8B  }
0x1a: {  	_ =	swait.ge [sflag:s24], $0x1  }
0x1b: {  	[sflag:s24] =	ssyncset.done $0x0  }
0x1c: {  	[sflag:s24] =	ssyncadd.s32 $0xFFFFFFFF  }
0x1d: {  	s5 =	sld [smem:$0x0]  }
0x1e: {  	s6 =	sand.u32 $0xFFFFFFFE, s1  }
0x1f: {  	p0 =	sne.s32 s1, s6  }
0x20: {  	s6 =	sshll.u32 @p0 s6, $0xE  }
0x21: {  	s6 =	sadd.s32 @p0 $0x11B8D, s6;
	s7 =	sshll.u32 @p0 s5, $0x11  }
0x22: {  	s6 =	sor.u32 @p0 s7, s6  }
0x23: {  	[sflag:s6] =	ssyncadd.remote.s32 @p0 $0x1;
	_ =	sdelay $0x1  }
0x24: {  	s6 =	simm.s32 @p0 $0x1B8D  }
0x25: {  	_ =	swait.eq @p0 [sflag:s6], $0x1  }
0x26: {  	[sflag:s6] =	ssyncadd.s32 @p0 $0xFFFFFFFF  }
0x27: {  	s7 =	sshll.u32 @!p0 s1, $0xE  }
0x28: {  	s7 =	sor.u32 @!p0 $0x4000, s7;
	s6 =	simm.s32 @!p0 $0x1B8D  }
0x29: {  	s5 =	sshll.u32 @!p0 s5, $0x11;
	s7 =	sadd.s32 @!p0 $0x11B8D, s7;
	_ =	swait.eq @!p0 [sflag:s6], $0x1  }
0x2a: {  	s5 =	sor.u32 @!p0 s5, s7;
	[sflag:s6] =	ssyncadd.s32 @!p0 $0xFFFFFFFF  }
0x2b: {  	s26 =	simm.s32 $0x1B8E;
	s25 =	sld [smem:$0x3FFE];
	[sflag:s5] =	ssyncadd.remote.s32 @!p0 $0x1  }
0x2c: {  	s27 =	simm.s32 $execute0_lowered;
	[smem:$0x3FD2] =	sst s26  }
0x2d: {  	s6 =	sshll.u32 s27, $0x1;
	_ =	strace $0x80000049;
	[dreg:$0x1] =	wrdreg $0xFFFFFFFF  }
0x2e: {  	s28 =	simm.s32 $_size_execute0_lowered;
	s4 =	sadd.s32 s4, s6;
	[dreg:$0x0] =	wrdreg $0x0  }
0x2f: {  	s6 =	sshll.u32 s28, $0x1;
	[dreg:$0x2] =	wrdreg s4  }
0x30: {  	[dreg:$0x3] =	wrdreg s6  }
0x31: {  	[dreg:$0x4] =	wrdreg $0xC0  }
0x32: {  	_ =	task [dreg:s23], $0x5FFFF  }
0x33: {  	[dreg:$0x1] =	wrdreg $0xFFFFFFFF  }
0x34: {  	[dreg:$0x0] =	wrdreg $0x60  }
0x35: {  	[dreg:$0x2] =	wrdreg s19  }
0x36: {  	[dreg:$0x3] =	wrdreg s25  }
0x37: {  	[dreg:$0x4] =	wrdreg $0x9  }
0x38: {  	_ =	task.clear_ibuf [dreg:s23], $0x5FFFF;
	_ =	strace $0x90000049  }
0x39: {  	s29 =	simm.s32 $0x9;
	_ =	strace $0x8000004B  }
0x3a: {  	_ =	swait.ge [sflag:s29], $0x1  }
0x3b: {  	[sflag:s29] =	ssyncadd.s32 $0xFFFFFFFF  }
0x3c: {  	_ =	strace $0x9000004B  }
0x3d: {  	_ =	sfence  }
0x3e: {  	s30 =	sld [smem:$0x0];
	_ =	sdelay $0x2  }
0x3f: {  	s31 =	sshll.u32 s1, $0xD;
	s1 =	sshrl.u32 s1, $0x2  }
0x40: {  	s4 =	sand.u32 $0x4000, s31;
	s1 =	sadd.s32 s1, s30  }
0x41: {  	s0 =	sor.u32 s4, s0;
	s1 =	sshll.u32 s1, $0x11  }
0x42: {  	s0 =	sor.u32 s1, s0  }
0x43: {  	s0 =	sadd.s32 $0x8F2B, s0  }
0x44: {  	[sflag:s0] =	ssyncadd.remote.s32 $0x1  }
0x45: {  	_ =	sfence.sel $0xFFFF  }
0x46: {  	[dreg:$0x0] =	wrdreg $0xFFFFFFFF;
	(pc) =	sbr.abs _section_cstart, $3  }
0x47: {  	[dreg:$0x1] =	wrdreg $0xFFFFFFFF  }
0x48: {  	_ =	task.clear_ibuf [dreg:s23], $0x2FFFF;
	_ =	strace $0x9FFFFFFF  }
0x49: {  	(tm) =	ssettm $0x7FFFFFFF  }
tec
execute0_lowered:
.L_overlay_start_1:
0x0: {  	(tag) =	ssettag $0x1  }
0x1: {  	s0 =	srdreg.scid  }
0x2: {  	s1 =	sshll.u32 s0, $0x4  }
0x3: {  	s2 =	rddreg [dreg:$0x0];
	s0 =	stileid.u32;
	s1 =	sand.u32 $0x10, s1  }
0x4: {  	s4 =	rddreg [dreg:$0x1];
	s7 =	simm.s32 $0x1;
	s1 =	sor.u32 s0, s1  }
0x5: {  	s8 =	simm.s32 $0x2;
	s9 =	simm.s32 $0x0;
	s3 =	sshll.u32 s1, $0x1  }
0x6: {  	s12 =	simm.s32 $0x0;
	s11 =	simm.s32 $0x0;
	s6 =	ssub.s32 $0x440, s3  }
.Ltmp0:
0x7: {  	s4 =	sadd.s32 $0x624000, s4;
	s5 =	sand.u32 $0x3E, s6;
	(pc) =	sbr.rel .LBB1_1-.Ltmp0, $4  }
0x8: {  	s1 =	rddreg [dreg:$0x2];
	_ =	strace $0x8000004A;
	p0 =	sne.s32 s5, $0x0  }
0x9: {  	s6 =	sshrl.u32 s6, $0x6;
	s5 =	simm.s32 $0x1;
	s7 =	simm.s32 @!p0 $0x0  }
0xa: {  	s10 =	smov.u32 s3;
	[sflag:s5] =	ssyncpa.u1 $0x0;
	s6 =	sadd.s32 s7, s6  }
0xb: {  	[sflag:s8] =	ssyncpa.u1 $0x0;
	s8 =	simm.s32 $0x0;
	s7 =	sadd.s32 $0x1, s6  }
.LBB1_9:
0xc: {  	s14 =	sadd.s32 $0x40, s10  }
0xd: {  	p1 =	sgt.s32 s14, $0x43F  }
0xe: {  	s14 =	smov.u32 @p1 s3;
	p1 =	sne.s32 s11, s7  }
.Ltmp1:
0xf: {  	p0 =	slt.u32 s11, $0x2;
	(pc) =	sbr.rel @!p1 .LBB1_10-.Ltmp1, $4  }
0x10: {  	s13 =	simm.s32 @!p0 $0x2  }
0x11: {  	s15 =	sadd.s32 $0x1, s11;
	_ =	swait.ge @!p0 [sflag:s13], $0x4000  }
0x12: {  	s12 =	smov.u32 s10;
	s9 =	sadd.s32 $0x4000, s9;
	[sflag:s13] =	ssyncset.done @!p0 $0x0  }
0x13: {  	s11 =	smov.u32 s15;
	s10 =	smov.u32 s14;
	[sflag:s13] =	ssyncadd.s32 @!p0 $0xFFFFC000  }
.LBB1_1:
0x14: {  	p0 =	sge.u32 s11, s6  }
0x15: {  	s13 =	sxor.u32 @!p0 $0xFFFFFFFF, s11  }
0x16: {  	s31 =	sadd.s32 $0xFFFFFFFF, s11;
	s14 =	sshll.u32 @!p0 s10, $0xA;
	s13 =	sshll.u32 @!p0 s13, $0xE  }
0x17: {  	s15 =	simm.s32 @!p0 $0x0;
	s14 =	sadd.s32 @!p0 s2, s14;
	s13 =	sand.u32 @!p0 $0x4000, s13  }
0x18: {  	[tilespmem:s13], [sflag:$0x1] =	stream.linear.gather @!p0 [hbm4b:s14+s15], $0x4000, $0x38;
	[tilespmem:$0x10000] =	vst v63  }
0x19: {  	p0 =	sge.u32 s31, s6  }
.Ltmp2:
0x1a: {  	_ = 	snop;
	(pc) =	sbr.rel @p0 .LBB1_9-.Ltmp2, $1  }
0x1b: {  	_ =	sdelay $0x3  }
0x1c: {  	s13 =	sshll.u32 s9, $0x2  }
0x1d: {  	_ =	swait.ge [sflag:s5], $0x4000;
	s14 =	sshll.u32 s11, $0xE;
	s16 =	simm.s32 $0x0  }
0x1e: {  	p1 =	por $0x1, $0x1;
	s13 =	sand.u32 $0x10000, s13;
	[sflag:s5] =	ssyncset.done $0x0  }
0x1f: {  	s14 =	sand.u32 $0x4000, s14;
	s15 =	sshrl.u32 s13, $0x2;
	[sflag:s5] =	ssyncadd.s32 $0xFFFFC000  }
0x20: {  	s13 =	sor.u32 $0x8000, s14;
	s14 =	sadd.s32 $0x8040, s15;
	s15 =	sadd.s32 $0x40, s15  }
.LBB1_3:
0x21: {  	s16 =	sshll.u32 s16, $0x2  }
0x22: {  	p0 =	por p1, p1;
	s17 =	sshra.s32 s16, $0x2  }
0x23: {  	s18 =	simm.s32 $0x0;
	s16 =	sadd.s32 s17, s14;
	s17 =	sadd.s32 s17, s15  }
.LBB1_4:
0x24: {  	v0 =	vmov s17;
	_ =	sdelay $0x3  }
0x25: {  	s20 =	simm.s32 $0x0  }
0x26: {  	v6 =	vld.idx.msk [tilespmem:v0+s20+$0x30 ss:$0x1], $0xffff  }
0x27: {  	v7 =	vld.idx.msk [tilespmem:v0+s20+$0xFFFFFFC0 ss:$0x1], $0xffff  }
0x28: {  	v5 =	vld.idx.msk [tilespmem:v0+s20+$0xFFFFFFD0 ss:$0x1], $0xffff  }
0x29: {  	v4 =	vld.idx.msk [tilespmem:v0+s20+$0xFFFFFFE0 ss:$0x1], $0xffff  }
0x2a: {  	v3 =	vld.idx.msk [tilespmem:v0+s20+$0xFFFFFFF0 ss:$0x1], $0xffff  }
0x2b: {  	v1 =	vld.idx.msk [tilespmem:v0+s20+$0x0 ss:$0x1], $0xffff  }
0x2c: {  	v2 =	vld.idx.msk [tilespmem:v0+s20+$0x10 ss:$0x1], $0xffff;
	[tilespmem:s16+$0x30] =	vst v6  }
0x2d: {  	s19 =	simm.s32 $0x80;
	s21 =	simm.s32 $0x400;
	[tilespmem:s16+$0xFFFFFFC0] =	vst v7;
	v6 =	vld.idx.msk [tilespmem:v0+s20+$0x20 ss:$0x1], $0xffff;
	s20 =	smov.u32 s16  }
.LBB1_5:
0x2e: {  	p1 =	sne.s32 s21, $0xE00;
	v7 =	vld.idx.msk [tilespmem:v0+s19+$0x30 ss:$0x1], $0xffff;
	[tilespmem:s20+$0xFFFFFFD0] =	vst v5  }
0x2f: {  	v8 =	vld.idx.msk [tilespmem:v0+s19+$0xFFFFFFC0 ss:$0x1], $0xffff;
	[tilespmem:s20+$0xFFFFFFE0] =	vst v4  }
0x30: {  	v5 =	vld.idx.msk [tilespmem:v0+s19+$0xFFFFFFD0 ss:$0x1], $0xffff;
	[tilespmem:s20+$0xFFFFFFF0] =	vst v3  }
.Ltmp3:
0x31: {  	v4 =	vld.idx.msk [tilespmem:v0+s19+$0xFFFFFFE0 ss:$0x1], $0xffff;
	[tilespmem:s20+$0x0] =	vst v1;
	(pc) =	sbr.rel @p1 .LBB1_5-.Ltmp3, $4  }
0x32: {  	v3 =	vld.idx.msk [tilespmem:v0+s19+$0xFFFFFFF0 ss:$0x1], $0xffff;
	[tilespmem:s20+$0x10] =	vst v2  }
0x33: {  	v1 =	vld.idx.msk [tilespmem:v0+s19+$0x0 ss:$0x1], $0xffff;
	[tilespmem:s20+$0x20] =	vst v6;
	s20 =	sadd.s32 $0x400, s20  }
0x34: {  	v2 =	vld.idx.msk [tilespmem:v0+s19+$0x10 ss:$0x1], $0xffff;
	[tilespmem:s20+$0x30] =	vst v7  }
0x35: {  	[tilespmem:s20+$0xFFFFFFC0] =	vst v8;
	v6 =	vld.idx.msk [tilespmem:v0+s19+$0x20 ss:$0x1], $0xffff;
	s19 =	sshra.s32 s21, $0x2;
	s21 =	sadd.s32 $0x200, s21  }
0x36: {  	_ =	sdelay $0x2  }
0x37: {  	[tilespmem:s20+$0xFFFFFFD0] =	vst v5  }
0x38: {  	v56 =	vld.idx.msk [tilespmem:v0+s19+$0x30 ss:$0x1], $0xffff;
	[tilespmem:s20+$0xFFFFFFE0] =	vst v4  }
0x39: {  	v57 =	vld.idx.msk [tilespmem:v0+s19+$0xFFFFFFC0 ss:$0x1], $0xffff;
	[tilespmem:s20+$0xFFFFFFF0] =	vst v3  }
0x3a: {  	v58 =	vld.idx.msk [tilespmem:v0+s19+$0xFFFFFFD0 ss:$0x1], $0xffff;
	[tilespmem:s20+$0x0] =	vst v1  }
0x3b: {  	v59 =	vld.idx.msk [tilespmem:v0+s19+$0xFFFFFFE0 ss:$0x1], $0xffff;
	[tilespmem:s20+$0x10] =	vst v2  }
0x3c: {  	v60 =	vld.idx.msk [tilespmem:v0+s19+$0xFFFFFFF0 ss:$0x1], $0xffff;
	s31 =	sadd.s32 $0x400, s20;
	[tilespmem:s20+$0x20] =	vst v6  }
0x3d: {  	v61 =	vld.idx.msk [tilespmem:v0+s19+$0x0 ss:$0x1], $0xffff;
	[tilespmem:s31+$0x30] =	vst v56  }
0x3e: {  	v62 =	vld.idx.msk [tilespmem:v0+s19+$0x10 ss:$0x1], $0xffff;
	s18 =	sadd.s32 $0x1, s18;
	[tilespmem:s31+$0xFFFFFFC0] =	vst v57  }
0x3f: {  	v63 =	vld.idx.msk [tilespmem:v0+s19+$0x20 ss:$0x1], $0xffff;
	p1 =	sne.s32 s18, $0x8;
	[tilespmem:s31+$0xFFFFFFD0] =	vst v58  }
.Ltmp4:
0x40: {  	[tilespmem:s31+$0xFFFFFFE0] =	vst v59;
	(pc) =	sbr.rel @p1 .LBB1_4-.Ltmp4, $4  }
0x41: {  	[tilespmem:s31+$0xFFFFFFF0] =	vst v60  }
0x42: {  	[tilespmem:s31+$0x0] =	vst v61  }
0x43: {  	[tilespmem:s31+$0x10] =	vst v62  }
0x44: {  	s16 =	sadd.s32 $0x80, s16;
	s17 =	sadd.s32 $0x400, s17;
	[tilespmem:s31+$0x20] =	vst v63  }
.Ltmp5:
0x45: {  	(pc) =	sbr.rel @p0 .LBB1_3-.Ltmp5, $2  }
0x46: {  	_ =	sdelay $0x2  }
0x47: {  	s16 =	simm.s32 $0x2000;
	p1 =	por $0x0, $0x0  }
.Ltmp6:
0x48: {  	(pc) =	sbr.rel .LBB1_9-.Ltmp6, $4  }
0x49: {  	_ = 	snop  }
0x4a: {  	s12 =	sshll.u32 s12, $0xA  }
0x4b: {  	s12 =	sadd.s32 s4, s12  }
0x4c: {  	[hbm4b:s12+s8] =	stream.linear.scatter [tilespmem:s13], [sflag:$0x2], $0x4000, $0x38;
	[tilespmem:$0x10000] =	vst v63  }
.LBB1_10:
0x4d: {  	_ =	sfence.sel $0x180000  }
0x4e: {  	s2 =	simm.s32 $0x1;
	[bflag:$0x0] =	sbarrier.arrive $0xFFFF  }
0x4f: {  	s31 =	simm.s32 $0x2;
	[sflag:s2] =	ssyncpa.u1 $0x1  }
0x50: {  	[sflag:s31] =	ssyncpa.u1 $0x1  }
0x51: {  	p0 =	sne.s32 s0, $0x0;
	_ =	strace $0x9000004A  }
0x52: {  	s0 =	sadd.s32 @!p0 $0x100000, s1;
	[bflag:$0x2] =	sbarrier.arrive $0xFFFF  }
0x53: {  	[sflag:s0] =	ssyncadd.tile.s32 @!p0 $0x1;
	_ =	shalt  }
.Lfunc_end1:
_tile_overlayer_lowered:
.L_overlay_start_2:
0x54: {  	(tag) =	ssettag $0x2  }
0x55: {  	s0 =	rddreg [dreg:$0x0];
	s2 =	stileid.u32  }
0x56: {  	s1 =	rddreg [dreg:$0x1];
	p0 =	sne.s32 s2, $0x0  }
0x57: {  	s3 =	rddreg [dreg:$0x2];
	[bflag:$0x3] =	sbarrier.arrive $0xFFFF;
	s2 =	simm.s32 @!p0 $0x1C01  }
0x58: {  	[timem:s3], [sflag:s2] =	dma.local @!p0 [hbm:s0], s1  }
0x59: {  	s0 =	simm.s32 @!p0 $0x1  }
0x5a: {  	_ =	swait.ge @!p0 [sflag:s0], s1  }
0x5b: {  	s1 =	ssub.s32 @!p0 $0x0, s1;
	[sflag:s0] =	ssyncset.done @!p0 $0x0  }
0x5c: {  	[sflag:s0] =	ssyncadd.s32 @!p0 s1  }
0x5d: {  	[bflag:$0x3] =	sbarrier.arrive $0xFFFF  }
0x5e: {  	_ =	shalt  }

</sc_bundles>
